<compile_context>
chip_gen: v7x
topology: tpu7x:2x2x1
jax: 0.10.2.dev20260603
libtpu: 0.0.44.dev20260713+nightly
codegen_flags: <defaults>
</compile_context>

<pallas_src>
import jax
import jax.numpy as jnp
from jax import lax
from jax.experimental import pallas as pl
from jax.experimental.pallas import tpu as pltpu
from jax.experimental.pallas import tpu_sc as plsc

N = 16384
K = 128
NC = 2
NS = 16
NW = NC * NS
L = 16
ROWS_PER_W = N // NW
CHUNK = 64
NCHUNK = ROWS_PER_W // CHUNK
NBUF = 2


def _neg_sqrt16(x):
    x = jnp.maximum(x, jnp.float32(1e-30))
    i = lax.bitcast_convert_type(x, jnp.int32)
    i = jnp.int32(0x5F3759DF) - lax.shift_right_arithmetic(i, 1)
    y = lax.bitcast_convert_type(i, jnp.float32)
    h = x * jnp.float32(0.5)
    for _ in range(3):
        y = y * (jnp.float32(1.5) - h * y * y)
    return -(x * y)


def _score_body(s_hbm, p_hbm, o_hbm, out_hbm,
                sbuf0, pbuf0, obuf0, sbuf1, pbuf1, obuf1, res, sem0, sem1):
    wid = lax.axis_index("s") * NC + lax.axis_index("c")
    base = wid * ROWS_PER_W
    bufs = ((sbuf0, pbuf0, obuf0), (sbuf1, pbuf1, obuf1))
    srcs = (s_hbm, p_hbm, o_hbm)
    sems = (sem0, sem1)

    def start(c, b):
        row0 = base + c * CHUNK
        for w in range(3):
            pltpu.async_copy(
                srcs[w].at[pl.ds(row0, CHUNK)], bufs[b][w], sems[b]
            )

    start(0, 0)
    start(1, 1)

    iota = lax.iota(jnp.int32, L)

    @pl.loop(0, NCHUNK, step=NBUF)
    def _outer(c0):
        for b in range(NBUF):
            c = c0 + b
            sb, pb, ob = bufs[b]
            for w in range(3):
                pltpu.make_async_copy(
                    srcs[w].at[pl.ds(0, CHUNK)], bufs[b][w], sems[b]
                ).wait()
            @pl.loop(0, CHUNK // L)
            def _grp(g):
                rows = iota + g * jnp.int32(L)
                acc0 = jnp.zeros((L,), jnp.float32)

                @pl.loop(0, K, init_carry=(acc0, iota), unroll=4)
                def _k(_, carry):
                    acc, col = carry
                    s = plsc.load_gather(sb, [rows, col])
                    p = plsc.load_gather(pb, [rows, col])
                    o = plsc.load_gather(ob, [rows, col])
                    d = (s + p) - o
                    return acc + d * d, (col + jnp.int32(1)) & jnp.int32(K - 1)

                acc, _ = _k
                res[pl.ds(c * CHUNK + g * jnp.int32(L), L)] = _neg_sqrt16(acc)

            @pl.when(c + NBUF < NCHUNK)
            def _():
                start(c + NBUF, b)

    pltpu.sync_copy(res, out_hbm.at[pl.ds(base, ROWS_PER_W)])


@jax.jit
def _score(x):
    mesh = plsc.VectorSubcoreMesh(core_axis_name="c", subcore_axis_name="s")
    return pl.kernel(
        _score_body,
        out_type=jax.ShapeDtypeStruct((N,), jnp.float32),
        mesh=mesh,
        compiler_params=pltpu.CompilerParams(
            needs_layout_passes=False,
            skip_device_barrier=True,
            disable_bounds_checks=True,
            disable_semaphore_checks=True,
            use_tc_tiling_on_sc=True,
        ),
        scratch_types=[
            pltpu.VMEM((CHUNK, K), jnp.float32),
            pltpu.VMEM((CHUNK, K), jnp.float32),
            pltpu.VMEM((CHUNK, K), jnp.float32),
            pltpu.VMEM((CHUNK, K), jnp.float32),
            pltpu.VMEM((CHUNK, K), jnp.float32),
            pltpu.VMEM((CHUNK, K), jnp.float32),
            pltpu.VMEM((ROWS_PER_W,), jnp.float32),
            pltpu.SemaphoreType.DMA,
            pltpu.SemaphoreType.DMA,
        ],
    )(x[:, 0, :], x[:, 1, :], x[:, 2, :])




def kernel(triples):
    return _score(triples)

# --- scband reference (transcript-rebuilt; emitter-appended) ---
"""Pipeline reference for scband-abstract-scoring-layer-82867099009602 (READ-ONLY COPY).

The authoritative reference and input builder live on the scoring server;
editing this copy changes nothing except your own understanding.
"""

import jax, jax.numpy as jnp
import numpy as np

N = 16384
K = 128

def setup_inputs(seed: int = 0) -> dict:
    key = jax.random.key(seed)
    triples = jax.random.normal(key, (N, 3, K), dtype=jnp.float32)
    return {"triples": triples}

def reference(triples):
    # AbstractScoringLayer.call delegates to _compute_scores; we concretize
    # with the canonical TransE scoring (as in ampligraph's TransE subclass):
    #   score = -|| e_s + e_p - e_o ||_2
    s = triples[:, 0, :]
    p = triples[:, 1, :]
    o = triples[:, 2, :]
    scores = -jnp.sqrt(jnp.sum(jnp.square(s + p - o), axis=-1))
    return scores

if __name__ == "__main__":
    import jax
    _d = setup_inputs()
    print(jax.jit(kernel)(*tuple(_d.values())))

</pallas_src>

<mosaic_0001>
#map = affine_map<(d0, d1) -> (0, 0)>
#map1 = affine_map<(d0, d1) -> (0)>
module attributes {stable_mosaic.version = 14 : i64} {
  func.func @_score_body(%arg0: i32, %arg1: i32, %arg2: memref<16384x128xf32, #tpu.memory_space<hbm>>, %arg3: memref<16384x128xf32, #tpu.memory_space<hbm>>, %arg4: memref<16384x128xf32, #tpu.memory_space<hbm>>, %arg5: memref<16384xf32, #tpu.memory_space<hbm>>, %arg6: memref<64x128xf32, #tpu.memory_space<vmem>>, %arg7: memref<64x128xf32, #tpu.memory_space<vmem>>, %arg8: memref<64x128xf32, #tpu.memory_space<vmem>>, %arg9: memref<64x128xf32, #tpu.memory_space<vmem>>, %arg10: memref<64x128xf32, #tpu.memory_space<vmem>>, %arg11: memref<64x128xf32, #tpu.memory_space<vmem>>, %arg12: memref<512xf32, #tpu.memory_space<vmem>>, %arg13: memref<!tpu.dma_semaphore, #tpu.memory_space<semaphore_mem>>, %arg14: memref<!tpu.dma_semaphore, #tpu.memory_space<semaphore_mem>>) attributes {dimension_semantics = [#tpu.dimension_semantics<core_parallel>, #tpu.dimension_semantics<subcore_parallel>], iteration_bounds = array<i64: 2, 16>, scalar_prefetch = 0 : i64, scratch_operands = 9 : i64, tpu.core_type = #tpu.core_type<sc_vector_subcore>, window_params = [{transform_indices = #map}, {transform_indices = #map}, {transform_indices = #map}, {transform_indices = #map1}]} {
    %mul3A = arith.constant 2 : i32
    %mul3A_0 = arith.muli %arg1, %mul3A : i32
    %add3A = arith.addi %mul3A_0, %arg0 : i32
    %mul3A_1 = arith.constant 512 : i32
    %mul3A_2 = arith.muli %add3A, %mul3A_1 : i32
    %add3A_3 = arith.constant 0 : i32
    %add3A_4 = arith.addi %mul3A_2, %add3A_3 : i32
    %dma_start3A = arith.constant 0 : i32
    %dma_start3A_5 = tpu.memref_slice %arg2[%add3A_4, %dma_start3A] : memref<16384x128xf32, #tpu.memory_space<hbm>> -> memref<64x128xf32, #tpu.memory_space<hbm>>
    %dma_start3A_6 = arith.constant 0 : i32
    %dma_start3A_7 = tpu.memref_slice %arg2[%add3A_4, %dma_start3A_6] : memref<16384x128xf32, #tpu.memory_space<hbm>> -> memref<64x128xf32, #tpu.memory_space<hbm>>
    tpu.enqueue_dma source(%dma_start3A_7 : memref<64x128xf32, #tpu.memory_space<hbm>>) target(%arg6 : memref<64x128xf32, #tpu.memory_space<vmem>>) target_semaphore(%arg13 : memref<!tpu.dma_semaphore, #tpu.memory_space<semaphore_mem>>)
    %dma_start3A_8 = arith.constant 0 : i32
    %dma_start3A_9 = tpu.memref_slice %arg3[%add3A_4, %dma_start3A_8] : memref<16384x128xf32, #tpu.memory_space<hbm>> -> memref<64x128xf32, #tpu.memory_space<hbm>>
    %dma_start3A_10 = arith.constant 0 : i32
    %dma_start3A_11 = tpu.memref_slice %arg3[%add3A_4, %dma_start3A_10] : memref<16384x128xf32, #tpu.memory_space<hbm>> -> memref<64x128xf32, #tpu.memory_space<hbm>>
    tpu.enqueue_dma source(%dma_start3A_11 : memref<64x128xf32, #tpu.memory_space<hbm>>) target(%arg7 : memref<64x128xf32, #tpu.memory_space<vmem>>) target_semaphore(%arg13 : memref<!tpu.dma_semaphore, #tpu.memory_space<semaphore_mem>>)
    %dma_start3A_12 = arith.constant 0 : i32
    %dma_start3A_13 = tpu.memref_slice %arg4[%add3A_4, %dma_start3A_12] : memref<16384x128xf32, #tpu.memory_space<hbm>> -> memref<64x128xf32, #tpu.memory_space<hbm>>
    %dma_start3A_14 = arith.constant 0 : i32
    %dma_start3A_15 = tpu.memref_slice %arg4[%add3A_4, %dma_start3A_14] : memref<16384x128xf32, #tpu.memory_space<hbm>> -> memref<64x128xf32, #tpu.memory_space<hbm>>
    tpu.enqueue_dma source(%dma_start3A_15 : memref<64x128xf32, #tpu.memory_space<hbm>>) target(%arg8 : memref<64x128xf32, #tpu.memory_space<vmem>>) target_semaphore(%arg13 : memref<!tpu.dma_semaphore, #tpu.memory_space<semaphore_mem>>)
    %add3A_16 = arith.constant 64 : i32
    %add3A_17 = arith.addi %mul3A_2, %add3A_16 : i32
    %dma_start3A_18 = arith.constant 0 : i32
    %dma_start3A_19 = tpu.memref_slice %arg2[%add3A_17, %dma_start3A_18] : memref<16384x128xf32, #tpu.memory_space<hbm>> -> memref<64x128xf32, #tpu.memory_space<hbm>>
    %dma_start3A_20 = arith.constant 0 : i32
    %dma_start3A_21 = tpu.memref_slice %arg2[%add3A_17, %dma_start3A_20] : memref<16384x128xf32, #tpu.memory_space<hbm>> -> memref<64x128xf32, #tpu.memory_space<hbm>>
    tpu.enqueue_dma source(%dma_start3A_21 : memref<64x128xf32, #tpu.memory_space<hbm>>) target(%arg9 : memref<64x128xf32, #tpu.memory_space<vmem>>) target_semaphore(%arg14 : memref<!tpu.dma_semaphore, #tpu.memory_space<semaphore_mem>>)
    %dma_start3A_22 = arith.constant 0 : i32
    %dma_start3A_23 = tpu.memref_slice %arg3[%add3A_17, %dma_start3A_22] : memref<16384x128xf32, #tpu.memory_space<hbm>> -> memref<64x128xf32, #tpu.memory_space<hbm>>
    %dma_start3A_24 = arith.constant 0 : i32
    %dma_start3A_25 = tpu.memref_slice %arg3[%add3A_17, %dma_start3A_24] : memref<16384x128xf32, #tpu.memory_space<hbm>> -> memref<64x128xf32, #tpu.memory_space<hbm>>
    tpu.enqueue_dma source(%dma_start3A_25 : memref<64x128xf32, #tpu.memory_space<hbm>>) target(%arg10 : memref<64x128xf32, #tpu.memory_space<vmem>>) target_semaphore(%arg14 : memref<!tpu.dma_semaphore, #tpu.memory_space<semaphore_mem>>)
    %dma_start3A_26 = arith.constant 0 : i32
    %dma_start3A_27 = tpu.memref_slice %arg4[%add3A_17, %dma_start3A_26] : memref<16384x128xf32, #tpu.memory_space<hbm>> -> memref<64x128xf32, #tpu.memory_space<hbm>>
    %dma_start3A_28 = arith.constant 0 : i32
    %dma_start3A_29 = tpu.memref_slice %arg4[%add3A_17, %dma_start3A_28] : memref<16384x128xf32, #tpu.memory_space<hbm>> -> memref<64x128xf32, #tpu.memory_space<hbm>>
    tpu.enqueue_dma source(%dma_start3A_29 : memref<64x128xf32, #tpu.memory_space<hbm>>) target(%arg11 : memref<64x128xf32, #tpu.memory_space<vmem>>) target_semaphore(%arg14 : memref<!tpu.dma_semaphore, #tpu.memory_space<semaphore_mem>>)
    %iota3A = tpu.iota {dimensions = array<i32: 0>} : vector<16xi32>
    %scan3A = arith.constant 0 : i32
    %scan3A_30 = arith.constant 4 : i32
    %scan3A_31 = arith.addi %scan3A, %scan3A_30 : i32
    %scan3A_32 = arith.constant 1 : i32
    scf.for %scan3A_34 = %scan3A to %scan3A_31 step %scan3A_32  : i32 {
      %mul3A_35 = arith.constant 2 : i32
      %mul3A_36 = arith.muli %scan3A_34, %mul3A_35 : i32
      %add3A_37 = arith.constant 0 : i32
      %add3A_38 = arith.addi %add3A_37, %mul3A_36 : i32
      %add3A_39 = arith.constant 0 : i32
      %add3A_40 = arith.addi %add3A_38, %add3A_39 : i32
      %dma_wait3A = arith.constant 0 : i32
      %dma_wait3A_41 = arith.constant 0 : i32
      %dma_wait3A_42 = tpu.memref_slice %arg2[%dma_wait3A, %dma_wait3A_41] : memref<16384x128xf32, #tpu.memory_space<hbm>> -> memref<64x128xf32, #tpu.memory_space<hbm>>
      %dma_wait3A_43 = arith.constant 0 : i32
      %dma_wait3A_44 = arith.constant 0 : i32
      %dma_wait3A_45 = tpu.memref_slice %arg2[%dma_wait3A_43, %dma_wait3A_44] : memref<16384x128xf32, #tpu.memory_space<hbm>> -> memref<64x128xf32, #tpu.memory_space<hbm>>
      tpu.wait_dma2 semaphore(%arg13 : memref<!tpu.dma_semaphore, #tpu.memory_space<semaphore_mem>>) src(%dma_wait3A_45 : memref<64x128xf32, #tpu.memory_space<hbm>>) dst(%arg6 : memref<64x128xf32, #tpu.memory_space<vmem>>)
      %dma_wait3A_46 = arith.constant 0 : i32
      %dma_wait3A_47 = arith.constant 0 : i32
      %dma_wait3A_48 = tpu.memref_slice %arg3[%dma_wait3A_46, %dma_wait3A_47] : memref<16384x128xf32, #tpu.memory_space<hbm>> -> memref<64x128xf32, #tpu.memory_space<hbm>>
      %dma_wait3A_49 = arith.constant 0 : i32
      %dma_wait3A_50 = arith.constant 0 : i32
      %dma_wait3A_51 = tpu.memref_slice %arg3[%dma_wait3A_49, %dma_wait3A_50] : memref<16384x128xf32, #tpu.memory_space<hbm>> -> memref<64x128xf32, #tpu.memory_space<hbm>>
      tpu.wait_dma2 semaphore(%arg13 : memref<!tpu.dma_semaphore, #tpu.memory_space<semaphore_mem>>) src(%dma_wait3A_51 : memref<64x128xf32, #tpu.memory_space<hbm>>) dst(%arg7 : memref<64x128xf32, #tpu.memory_space<vmem>>)
      %dma_wait3A_52 = arith.constant 0 : i32
      %dma_wait3A_53 = arith.constant 0 : i32
      %dma_wait3A_54 = tpu.memref_slice %arg4[%dma_wait3A_52, %dma_wait3A_53] : memref<16384x128xf32, #tpu.memory_space<hbm>> -> memref<64x128xf32, #tpu.memory_space<hbm>>
      %dma_wait3A_55 = arith.constant 0 : i32
      %dma_wait3A_56 = arith.constant 0 : i32
      %dma_wait3A_57 = tpu.memref_slice %arg4[%dma_wait3A_55, %dma_wait3A_56] : memref<16384x128xf32, #tpu.memory_space<hbm>> -> memref<64x128xf32, #tpu.memory_space<hbm>>
      tpu.wait_dma2 semaphore(%arg13 : memref<!tpu.dma_semaphore, #tpu.memory_space<semaphore_mem>>) src(%dma_wait3A_57 : memref<64x128xf32, #tpu.memory_space<hbm>>) dst(%arg8 : memref<64x128xf32, #tpu.memory_space<vmem>>)
      %scan3A_58 = arith.constant 0 : i32
      %scan3A_59 = arith.constant 4 : i32
      %scan3A_60 = arith.addi %scan3A_58, %scan3A_59 : i32
      %scan3A_61 = arith.constant 1 : i32
      scf.for %scan3A_99 = %scan3A_58 to %scan3A_60 step %scan3A_61  : i32 {
        %mul3A_100 = arith.constant 1 : i32
        %mul3A_101 = arith.muli %scan3A_99, %mul3A_100 : i32
        %add3A_102 = arith.constant 0 : i32
        %add3A_103 = arith.addi %add3A_102, %mul3A_101 : i32
        %mul3A_104 = arith.constant 16 : i32
        %mul3A_105 = arith.muli %add3A_103, %mul3A_104 : i32
        %add3A_106 = vector.broadcast %mul3A_105 : i32 to vector<16xi32>
        %add3A_107 = arith.addi %iota3A, %add3A_106 : vector<16xi32>
        %broadcast_in_dim3A = arith.constant 0.000000e+00 : f32
        %broadcast_in_dim3A_108 = vector.broadcast %broadcast_in_dim3A : f32 to vector<16xf32>
        %scan3A_109 = arith.constant 0 : i32
        %scan3A_110 = arith.constant 128 : i32
        %scan3A_111 = arith.addi %scan3A_109, %scan3A_110 : i32
        %scan3A_112 = arith.constant 4 : i32
        %scan3A_113:2 = scf.for %scan3A_152 = %scan3A_109 to %scan3A_111 step %scan3A_112 iter_args(%scan3A_153 = %broadcast_in_dim3A_108, %scan3A_154 = %iota3A) -> (vector<16xf32>, vector<16xi32>)  : i32 {
          %mul3A_155 = arith.constant 1 : i32
          %mul3A_156 = arith.muli %scan3A_152, %mul3A_155 : i32
          %add3A_157 = arith.constant 0 : i32
          %add3A_158 = arith.addi %add3A_157, %mul3A_156 : i32
          %gather3A = tpu.vector_load_idx %arg6[%add3A_107, %scan3A_154] : memref<64x128xf32, #tpu.memory_space<vmem>>[vector<16xi32>, vector<16xi32>], vector<16xf32>,
          %gather3A_159 = tpu.vector_load_idx %arg7[%add3A_107, %scan3A_154] : memref<64x128xf32, #tpu.memory_space<vmem>>[vector<16xi32>, vector<16xi32>], vector<16xf32>,
          %gather3A_160 = tpu.vector_load_idx %arg8[%add3A_107, %scan3A_154] : memref<64x128xf32, #tpu.memory_space<vmem>>[vector<16xi32>, vector<16xi32>], vector<16xf32>,
          %add3A_161 = arith.addf %gather3A, %gather3A_159 : vector<16xf32>
          %sub3A_162 = arith.subf %add3A_161, %gather3A_160 : vector<16xf32>
          %mul3A_163 = arith.mulf %sub3A_162, %sub3A_162 : vector<16xf32>
          %add3A_164 = arith.addf %scan3A_153, %mul3A_163 : vector<16xf32>
          %add3A_165 = arith.constant 1 : i32
          %add3A_166 = vector.broadcast %add3A_165 : i32 to vector<16xi32>
          %add3A_167 = arith.addi %scan3A_154, %add3A_166 : vector<16xi32>
          %and3A = arith.constant 127 : i32
          %and3A_168 = vector.broadcast %and3A : i32 to vector<16xi32>
          %and3A_169 = arith.andi %add3A_167, %and3A_168 : vector<16xi32>
          %scan3A_170 = arith.constant 1 : i32
          %scan3A_171 = arith.addi %scan3A_152, %scan3A_170 : i32
          %mul3A_172 = arith.constant 1 : i32
          %mul3A_173 = arith.muli %scan3A_171, %mul3A_172 : i32
          %add3A_174 = arith.constant 0 : i32
          %add3A_175 = arith.addi %add3A_174, %mul3A_173 : i32
          %gather3A_176 = tpu.vector_load_idx %arg6[%add3A_107, %and3A_169] : memref<64x128xf32, #tpu.memory_space<vmem>>[vector<16xi32>, vector<16xi32>], vector<16xf32>,
          %gather3A_177 = tpu.vector_load_idx %arg7[%add3A_107, %and3A_169] : memref<64x128xf32, #tpu.memory_space<vmem>>[vector<16xi32>, vector<16xi32>], vector<16xf32>,
          %gather3A_178 = tpu.vector_load_idx %arg8[%add3A_107, %and3A_169] : memref<64x128xf32, #tpu.memory_space<vmem>>[vector<16xi32>, vector<16xi32>], vector<16xf32>,
          %add3A_179 = arith.addf %gather3A_176, %gather3A_177 : vector<16xf32>
          %sub3A_180 = arith.subf %add3A_179, %gather3A_178 : vector<16xf32>
          %mul3A_181 = arith.mulf %sub3A_180, %sub3A_180 : vector<16xf32>
          %add3A_182 = arith.addf %add3A_164, %mul3A_181 : vector<16xf32>
          %add3A_183 = arith.constant 1 : i32
          %add3A_184 = vector.broadcast %add3A_183 : i32 to vector<16xi32>
          %add3A_185 = arith.addi %and3A_169, %add3A_184 : vector<16xi32>
          %and3A_186 = arith.constant 127 : i32
          %and3A_187 = vector.broadcast %and3A_186 : i32 to vector<16xi32>
          %and3A_188 = arith.andi %add3A_185, %and3A_187 : vector<16xi32>
          %scan3A_189 = arith.constant 2 : i32
          %scan3A_190 = arith.addi %scan3A_152, %scan3A_189 : i32
          %mul3A_191 = arith.constant 1 : i32
          %mul3A_192 = arith.muli %scan3A_190, %mul3A_191 : i32
          %add3A_193 = arith.constant 0 : i32
          %add3A_194 = arith.addi %add3A_193, %mul3A_192 : i32
          %gather3A_195 = tpu.vector_load_idx %arg6[%add3A_107, %and3A_188] : memref<64x128xf32, #tpu.memory_space<vmem>>[vector<16xi32>, vector<16xi32>], vector<16xf32>,
          %gather3A_196 = tpu.vector_load_idx %arg7[%add3A_107, %and3A_188] : memref<64x128xf32, #tpu.memory_space<vmem>>[vector<16xi32>, vector<16xi32>], vector<16xf32>,
          %gather3A_197 = tpu.vector_load_idx %arg8[%add3A_107, %and3A_188] : memref<64x128xf32, #tpu.memory_space<vmem>>[vector<16xi32>, vector<16xi32>], vector<16xf32>,
          %add3A_198 = arith.addf %gather3A_195, %gather3A_196 : vector<16xf32>
          %sub3A_199 = arith.subf %add3A_198, %gather3A_197 : vector<16xf32>
          %mul3A_200 = arith.mulf %sub3A_199, %sub3A_199 : vector<16xf32>
          %add3A_201 = arith.addf %add3A_182, %mul3A_200 : vector<16xf32>
          %add3A_202 = arith.constant 1 : i32
          %add3A_203 = vector.broadcast %add3A_202 : i32 to vector<16xi32>
          %add3A_204 = arith.addi %and3A_188, %add3A_203 : vector<16xi32>
          %and3A_205 = arith.constant 127 : i32
          %and3A_206 = vector.broadcast %and3A_205 : i32 to vector<16xi32>
          %and3A_207 = arith.andi %add3A_204, %and3A_206 : vector<16xi32>
          %scan3A_208 = arith.constant 3 : i32
          %scan3A_209 = arith.addi %scan3A_152, %scan3A_208 : i32
          %mul3A_210 = arith.constant 1 : i32
          %mul3A_211 = arith.muli %scan3A_209, %mul3A_210 : i32
          %add3A_212 = arith.constant 0 : i32
          %add3A_213 = arith.addi %add3A_212, %mul3A_211 : i32
          %gather3A_214 = tpu.vector_load_idx %arg6[%add3A_107, %and3A_207] : memref<64x128xf32, #tpu.memory_space<vmem>>[vector<16xi32>, vector<16xi32>], vector<16xf32>,
          %gather3A_215 = tpu.vector_load_idx %arg7[%add3A_107, %and3A_207] : memref<64x128xf32, #tpu.memory_space<vmem>>[vector<16xi32>, vector<16xi32>], vector<16xf32>,
          %gather3A_216 = tpu.vector_load_idx %arg8[%add3A_107, %and3A_207] : memref<64x128xf32, #tpu.memory_space<vmem>>[vector<16xi32>, vector<16xi32>], vector<16xf32>,
          %add3A_217 = arith.addf %gather3A_214, %gather3A_215 : vector<16xf32>
          %sub3A_218 = arith.subf %add3A_217, %gather3A_216 : vector<16xf32>
          %mul3A_219 = arith.mulf %sub3A_218, %sub3A_218 : vector<16xf32>
          %add3A_220 = arith.addf %add3A_201, %mul3A_219 : vector<16xf32>
          %add3A_221 = arith.constant 1 : i32
          %add3A_222 = vector.broadcast %add3A_221 : i32 to vector<16xi32>
          %add3A_223 = arith.addi %and3A_207, %add3A_222 : vector<16xi32>
          %and3A_224 = arith.constant 127 : i32
          %and3A_225 = vector.broadcast %and3A_224 : i32 to vector<16xi32>
          %and3A_226 = arith.andi %add3A_223, %and3A_225 : vector<16xi32>
          scf.yield %add3A_220, %and3A_226 : vector<16xf32>, vector<16xi32>
        }
        %scan3A_114 = arith.constant 128 : i32
        %max3A = arith.constant 1.000000e-30 : f32
        %max3A_115 = vector.broadcast %max3A : f32 to vector<16xf32>
        %max3A_116 = arith.maximumf %scan3A_113#0, %max3A_115 : vector<16xf32>
        %bitcast_convert_type3A = tpu.bitcast %max3A_116 : vector<16xf32> -> vector<16xi32>
        %shift_right_arithmetic3A = arith.constant 1 : i32
        %shift_right_arithmetic3A_117 = vector.broadcast %shift_right_arithmetic3A : i32 to vector<16xi32>
        %shift_right_arithmetic3A_118 = arith.shrsi %bitcast_convert_type3A, %shift_right_arithmetic3A_117 : vector<16xi32>
        %sub3A = arith.constant 1597463007 : i32
        %sub3A_119 = vector.broadcast %sub3A : i32 to vector<16xi32>
        %sub3A_120 = arith.subi %sub3A_119, %shift_right_arithmetic3A_118 : vector<16xi32>
        %bitcast_convert_type3A_121 = tpu.bitcast %sub3A_120 : vector<16xi32> -> vector<16xf32>
        %mul3A_122 = arith.constant 5.000000e-01 : f32
        %mul3A_123 = vector.broadcast %mul3A_122 : f32 to vector<16xf32>
        %mul3A_124 = arith.mulf %max3A_116, %mul3A_123 : vector<16xf32>
        %mul3A_125 = arith.mulf %mul3A_124, %bitcast_convert_type3A_121 : vector<16xf32>
        %mul3A_126 = arith.mulf %mul3A_125, %bitcast_convert_type3A_121 : vector<16xf32>
        %sub3A_127 = arith.constant 1.500000e+00 : f32
        %sub3A_128 = vector.broadcast %sub3A_127 : f32 to vector<16xf32>
        %sub3A_129 = arith.subf %sub3A_128, %mul3A_126 : vector<16xf32>
        %mul3A_130 = arith.mulf %bitcast_convert_type3A_121, %sub3A_129 : vector<16xf32>
        %mul3A_131 = arith.mulf %mul3A_124, %mul3A_130 : vector<16xf32>
        %mul3A_132 = arith.mulf %mul3A_131, %mul3A_130 : vector<16xf32>
        %sub3A_133 = arith.constant 1.500000e+00 : f32
        %sub3A_134 = vector.broadcast %sub3A_133 : f32 to vector<16xf32>
        %sub3A_135 = arith.subf %sub3A_134, %mul3A_132 : vector<16xf32>
        %mul3A_136 = arith.mulf %mul3A_130, %sub3A_135 : vector<16xf32>
        %mul3A_137 = arith.mulf %mul3A_124, %mul3A_136 : vector<16xf32>
        %mul3A_138 = arith.mulf %mul3A_137, %mul3A_136 : vector<16xf32>
        %sub3A_139 = arith.constant 1.500000e+00 : f32
        %sub3A_140 = vector.broadcast %sub3A_139 : f32 to vector<16xf32>
        %sub3A_141 = arith.subf %sub3A_140, %mul3A_138 : vector<16xf32>
        %mul3A_142 = arith.mulf %mul3A_136, %sub3A_141 : vector<16xf32>
        %mul3A_143 = arith.mulf %max3A_116, %mul3A_142 : vector<16xf32>
        %neg3A = arith.constant 0.000000e+00 : f32
        %neg3A_144 = vector.broadcast %neg3A : f32 to vector<16xf32>
        %neg3A_145 = arith.subf %neg3A_144, %mul3A_143 : vector<16xf32>
        %mul3A_146 = arith.constant 64 : i32
        %mul3A_147 = arith.muli %add3A_40, %mul3A_146 : i32
        %mul3A_148 = arith.constant 16 : i32
        %mul3A_149 = arith.muli %add3A_103, %mul3A_148 : i32
        %add3A_150 = arith.addi %mul3A_147, %mul3A_149 : i32
        %swap3A = arith.index_cast %add3A_150 : i32 to index
        %swap3A_151 = tpu.vector_load %arg12[%swap3A] {strides = array<i32>} : memref<512xf32, #tpu.memory_space<vmem>>, vector<16xf32>,
        tpu.vector_store %arg12[%swap3A], %neg3A_145 {strides = array<i32>} : memref<512xf32, #tpu.memory_space<vmem>>, vector<16xf32>,
      }
      %scan3A_62 = arith.constant 4 : i32
      %add3A_63 = arith.constant 2 : i32
      %add3A_64 = arith.addi %add3A_40, %add3A_63 : i32
      %lt3A = arith.constant 8 : i32
      %lt3A_65 = arith.cmpi slt, %add3A_64, %lt3A : i32
      %convert_element_type3A = arith.extui %lt3A_65 : i1 to i32
      %cond3A = arith.constant 0 : i32
      %cond3A_66 = arith.cmpi ne, %convert_element_type3A, %cond3A : i32
      scf.if %cond3A_66 {
        %add3A_99 = arith.constant 2 : i32
        %add3A_100 = arith.addi %add3A_40, %add3A_99 : i32
        %mul3A_101 = arith.constant 64 : i32
        %mul3A_102 = arith.muli %add3A_100, %mul3A_101 : i32
        %add3A_103 = arith.addi %mul3A_2, %mul3A_102 : i32
        %dma_start3A_104 = arith.constant 0 : i32
        %dma_start3A_105 = tpu.memref_slice %arg2[%add3A_103, %dma_start3A_104] : memref<16384x128xf32, #tpu.memory_space<hbm>> -> memref<64x128xf32, #tpu.memory_space<hbm>>
        %dma_start3A_106 = arith.constant 0 : i32
        %dma_start3A_107 = tpu.memref_slice %arg2[%add3A_103, %dma_start3A_106] : memref<16384x128xf32, #tpu.memory_space<hbm>> -> memref<64x128xf32, #tpu.memory_space<hbm>>
        tpu.enqueue_dma source(%dma_start3A_107 : memref<64x128xf32, #tpu.memory_space<hbm>>) target(%arg6 : memref<64x128xf32, #tpu.memory_space<vmem>>) target_semaphore(%arg13 : memref<!tpu.dma_semaphore, #tpu.memory_space<semaphore_mem>>)
        %dma_start3A_108 = arith.constant 0 : i32
        %dma_start3A_109 = tpu.memref_slice %arg3[%add3A_103, %dma_start3A_108] : memref<16384x128xf32, #tpu.memory_space<hbm>> -> memref<64x128xf32, #tpu.memory_space<hbm>>
        %dma_start3A_110 = arith.constant 0 : i32
        %dma_start3A_111 = tpu.memref_slice %arg3[%add3A_103, %dma_start3A_110] : memref<16384x128xf32, #tpu.memory_space<hbm>> -> memref<64x128xf32, #tpu.memory_space<hbm>>
        tpu.enqueue_dma source(%dma_start3A_111 : memref<64x128xf32, #tpu.memory_space<hbm>>) target(%arg7 : memref<64x128xf32, #tpu.memory_space<vmem>>) target_semaphore(%arg13 : memref<!tpu.dma_semaphore, #tpu.memory_space<semaphore_mem>>)
        %dma_start3A_112 = arith.constant 0 : i32
        %dma_start3A_113 = tpu.memref_slice %arg4[%add3A_103, %dma_start3A_112] : memref<16384x128xf32, #tpu.memory_space<hbm>> -> memref<64x128xf32, #tpu.memory_space<hbm>>
        %dma_start3A_114 = arith.constant 0 : i32
        %dma_start3A_115 = tpu.memref_slice %arg4[%add3A_103, %dma_start3A_114] : memref<16384x128xf32, #tpu.memory_space<hbm>> -> memref<64x128xf32, #tpu.memory_space<hbm>>
        tpu.enqueue_dma source(%dma_start3A_115 : memref<64x128xf32, #tpu.memory_space<hbm>>) target(%arg8 : memref<64x128xf32, #tpu.memory_space<vmem>>) target_semaphore(%arg13 : memref<!tpu.dma_semaphore, #tpu.memory_space<semaphore_mem>>)
      } else {
      }
      %add3A_67 = arith.constant 1 : i32
      %add3A_68 = arith.addi %add3A_38, %add3A_67 : i32
      %dma_wait3A_69 = arith.constant 0 : i32
      %dma_wait3A_70 = arith.constant 0 : i32
      %dma_wait3A_71 = tpu.memref_slice %arg2[%dma_wait3A_69, %dma_wait3A_70] : memref<16384x128xf32, #tpu.memory_space<hbm>> -> memref<64x128xf32, #tpu.memory_space<hbm>>
      %dma_wait3A_72 = arith.constant 0 : i32
      %dma_wait3A_73 = arith.constant 0 : i32
      %dma_wait3A_74 = tpu.memref_slice %arg2[%dma_wait3A_72, %dma_wait3A_73] : memref<16384x128xf32, #tpu.memory_space<hbm>> -> memref<64x128xf32, #tpu.memory_space<hbm>>
      tpu.wait_dma2 semaphore(%arg14 : memref<!tpu.dma_semaphore, #tpu.memory_space<semaphore_mem>>) src(%dma_wait3A_74 : memref<64x128xf32, #tpu.memory_space<hbm>>) dst(%arg9 : memref<64x128xf32, #tpu.memory_space<vmem>>)
      %dma_wait3A_75 = arith.constant 0 : i32
      %dma_wait3A_76 = arith.constant 0 : i32
      %dma_wait3A_77 = tpu.memref_slice %arg3[%dma_wait3A_75, %dma_wait3A_76] : memref<16384x128xf32, #tpu.memory_space<hbm>> -> memref<64x128xf32, #tpu.memory_space<hbm>>
      %dma_wait3A_78 = arith.constant 0 : i32
      %dma_wait3A_79 = arith.constant 0 : i32
      %dma_wait3A_80 = tpu.memref_slice %arg3[%dma_wait3A_78, %dma_wait3A_79] : memref<16384x128xf32, #tpu.memory_space<hbm>> -> memref<64x128xf32, #tpu.memory_space<hbm>>
      tpu.wait_dma2 semaphore(%arg14 : memref<!tpu.dma_semaphore, #tpu.memory_space<semaphore_mem>>) src(%dma_wait3A_80 : memref<64x128xf32, #tpu.memory_space<hbm>>) dst(%arg10 : memref<64x128xf32, #tpu.memory_space<vmem>>)
      %dma_wait3A_81 = arith.constant 0 : i32
      %dma_wait3A_82 = arith.constant 0 : i32
      %dma_wait3A_83 = tpu.memref_slice %arg4[%dma_wait3A_81, %dma_wait3A_82] : memref<16384x128xf32, #tpu.memory_space<hbm>> -> memref<64x128xf32, #tpu.memory_space<hbm>>
      %dma_wait3A_84 = arith.constant 0 : i32
      %dma_wait3A_85 = arith.constant 0 : i32
      %dma_wait3A_86 = tpu.memref_slice %arg4[%dma_wait3A_84, %dma_wait3A_85] : memref<16384x128xf32, #tpu.memory_space<hbm>> -> memref<64x128xf32, #tpu.memory_space<hbm>>
      tpu.wait_dma2 semaphore(%arg14 : memref<!tpu.dma_semaphore, #tpu.memory_space<semaphore_mem>>) src(%dma_wait3A_86 : memref<64x128xf32, #tpu.memory_space<hbm>>) dst(%arg11 : memref<64x128xf32, #tpu.memory_space<vmem>>)
      %scan3A_87 = arith.constant 0 : i32
      %scan3A_88 = arith.constant 4 : i32
      %scan3A_89 = arith.addi %scan3A_87, %scan3A_88 : i32
      %scan3A_90 = arith.constant 1 : i32
      scf.for %scan3A_99 = %scan3A_87 to %scan3A_89 step %scan3A_90  : i32 {
        %mul3A_100 = arith.constant 1 : i32
        %mul3A_101 = arith.muli %scan3A_99, %mul3A_100 : i32
        %add3A_102 = arith.constant 0 : i32
        %add3A_103 = arith.addi %add3A_102, %mul3A_101 : i32
        %mul3A_104 = arith.constant 16 : i32
        %mul3A_105 = arith.muli %add3A_103, %mul3A_104 : i32
        %add3A_106 = vector.broadcast %mul3A_105 : i32 to vector<16xi32>
        %add3A_107 = arith.addi %iota3A, %add3A_106 : vector<16xi32>
        %broadcast_in_dim3A = arith.constant 0.000000e+00 : f32
        %broadcast_in_dim3A_108 = vector.broadcast %broadcast_in_dim3A : f32 to vector<16xf32>
        %scan3A_109 = arith.constant 0 : i32
        %scan3A_110 = arith.constant 128 : i32
        %scan3A_111 = arith.addi %scan3A_109, %scan3A_110 : i32
        %scan3A_112 = arith.constant 4 : i32
        %scan3A_113:2 = scf.for %scan3A_152 = %scan3A_109 to %scan3A_111 step %scan3A_112 iter_args(%scan3A_153 = %broadcast_in_dim3A_108, %scan3A_154 = %iota3A) -> (vector<16xf32>, vector<16xi32>)  : i32 {
          %mul3A_155 = arith.constant 1 : i32
          %mul3A_156 = arith.muli %scan3A_152, %mul3A_155 : i32
          %add3A_157 = arith.constant 0 : i32
          %add3A_158 = arith.addi %add3A_157, %mul3A_156 : i32
          %gather3A = tpu.vector_load_idx %arg9[%add3A_107, %scan3A_154] : memref<64x128xf32, #tpu.memory_space<vmem>>[vector<16xi32>, vector<16xi32>], vector<16xf32>,
          %gather3A_159 = tpu.vector_load_idx %arg10[%add3A_107, %scan3A_154] : memref<64x128xf32, #tpu.memory_space<vmem>>[vector<16xi32>, vector<16xi32>], vector<16xf32>,
          %gather3A_160 = tpu.vector_load_idx %arg11[%add3A_107, %scan3A_154] : memref<64x128xf32, #tpu.memory_space<vmem>>[vector<16xi32>, vector<16xi32>], vector<16xf32>,
          %add3A_161 = arith.addf %gather3A, %gather3A_159 : vector<16xf32>
          %sub3A_162 = arith.subf %add3A_161, %gather3A_160 : vector<16xf32>
          %mul3A_163 = arith.mulf %sub3A_162, %sub3A_162 : vector<16xf32>
          %add3A_164 = arith.addf %scan3A_153, %mul3A_163 : vector<16xf32>
          %add3A_165 = arith.constant 1 : i32
          %add3A_166 = vector.broadcast %add3A_165 : i32 to vector<16xi32>
          %add3A_167 = arith.addi %scan3A_154, %add3A_166 : vector<16xi32>
          %and3A = arith.constant 127 : i32
          %and3A_168 = vector.broadcast %and3A : i32 to vector<16xi32>
          %and3A_169 = arith.andi %add3A_167, %and3A_168 : vector<16xi32>
          %scan3A_170 = arith.constant 1 : i32
          %scan3A_171 = arith.addi %scan3A_152, %scan3A_170 : i32
          %mul3A_172 = arith.constant 1 : i32
          %mul3A_173 = arith.muli %scan3A_171, %mul3A_172 : i32
          %add3A_174 = arith.constant 0 : i32
          %add3A_175 = arith.addi %add3A_174, %mul3A_173 : i32
          %gather3A_176 = tpu.vector_load_idx %arg9[%add3A_107, %and3A_169] : memref<64x128xf32, #tpu.memory_space<vmem>>[vector<16xi32>, vector<16xi32>], vector<16xf32>,
          %gather3A_177 = tpu.vector_load_idx %arg10[%add3A_107, %and3A_169] : memref<64x128xf32, #tpu.memory_space<vmem>>[vector<16xi32>, vector<16xi32>], vector<16xf32>,
          %gather3A_178 = tpu.vector_load_idx %arg11[%add3A_107, %and3A_169] : memref<64x128xf32, #tpu.memory_space<vmem>>[vector<16xi32>, vector<16xi32>], vector<16xf32>,
          %add3A_179 = arith.addf %gather3A_176, %gather3A_177 : vector<16xf32>
          %sub3A_180 = arith.subf %add3A_179, %gather3A_178 : vector<16xf32>
          %mul3A_181 = arith.mulf %sub3A_180, %sub3A_180 : vector<16xf32>
          %add3A_182 = arith.addf %add3A_164, %mul3A_181 : vector<16xf32>
          %add3A_183 = arith.constant 1 : i32
          %add3A_184 = vector.broadcast %add3A_183 : i32 to vector<16xi32>
          %add3A_185 = arith.addi %and3A_169, %add3A_184 : vector<16xi32>
          %and3A_186 = arith.constant 127 : i32
          %and3A_187 = vector.broadcast %and3A_186 : i32 to vector<16xi32>
          %and3A_188 = arith.andi %add3A_185, %and3A_187 : vector<16xi32>
          %scan3A_189 = arith.constant 2 : i32
          %scan3A_190 = arith.addi %scan3A_152, %scan3A_189 : i32
          %mul3A_191 = arith.constant 1 : i32
          %mul3A_192 = arith.muli %scan3A_190, %mul3A_191 : i32
          %add3A_193 = arith.constant 0 : i32
          %add3A_194 = arith.addi %add3A_193, %mul3A_192 : i32
          %gather3A_195 = tpu.vector_load_idx %arg9[%add3A_107, %and3A_188] : memref<64x128xf32, #tpu.memory_space<vmem>>[vector<16xi32>, vector<16xi32>], vector<16xf32>,
          %gather3A_196 = tpu.vector_load_idx %arg10[%add3A_107, %and3A_188] : memref<64x128xf32, #tpu.memory_space<vmem>>[vector<16xi32>, vector<16xi32>], vector<16xf32>,
          %gather3A_197 = tpu.vector_load_idx %arg11[%add3A_107, %and3A_188] : memref<64x128xf32, #tpu.memory_space<vmem>>[vector<16xi32>, vector<16xi32>], vector<16xf32>,
          %add3A_198 = arith.addf %gather3A_195, %gather3A_196 : vector<16xf32>
          %sub3A_199 = arith.subf %add3A_198, %gather3A_197 : vector<16xf32>
          %mul3A_200 = arith.mulf %sub3A_199, %sub3A_199 : vector<16xf32>
          %add3A_201 = arith.addf %add3A_182, %mul3A_200 : vector<16xf32>
          %add3A_202 = arith.constant 1 : i32
          %add3A_203 = vector.broadcast %add3A_202 : i32 to vector<16xi32>
          %add3A_204 = arith.addi %and3A_188, %add3A_203 : vector<16xi32>
          %and3A_205 = arith.constant 127 : i32
          %and3A_206 = vector.broadcast %and3A_205 : i32 to vector<16xi32>
          %and3A_207 = arith.andi %add3A_204, %and3A_206 : vector<16xi32>
          %scan3A_208 = arith.constant 3 : i32
          %scan3A_209 = arith.addi %scan3A_152, %scan3A_208 : i32
          %mul3A_210 = arith.constant 1 : i32
          %mul3A_211 = arith.muli %scan3A_209, %mul3A_210 : i32
          %add3A_212 = arith.constant 0 : i32
          %add3A_213 = arith.addi %add3A_212, %mul3A_211 : i32
          %gather3A_214 = tpu.vector_load_idx %arg9[%add3A_107, %and3A_207] : memref<64x128xf32, #tpu.memory_space<vmem>>[vector<16xi32>, vector<16xi32>], vector<16xf32>,
          %gather3A_215 = tpu.vector_load_idx %arg10[%add3A_107, %and3A_207] : memref<64x128xf32, #tpu.memory_space<vmem>>[vector<16xi32>, vector<16xi32>], vector<16xf32>,
          %gather3A_216 = tpu.vector_load_idx %arg11[%add3A_107, %and3A_207] : memref<64x128xf32, #tpu.memory_space<vmem>>[vector<16xi32>, vector<16xi32>], vector<16xf32>,
          %add3A_217 = arith.addf %gather3A_214, %gather3A_215 : vector<16xf32>
          %sub3A_218 = arith.subf %add3A_217, %gather3A_216 : vector<16xf32>
          %mul3A_219 = arith.mulf %sub3A_218, %sub3A_218 : vector<16xf32>
          %add3A_220 = arith.addf %add3A_201, %mul3A_219 : vector<16xf32>
          %add3A_221 = arith.constant 1 : i32
          %add3A_222 = vector.broadcast %add3A_221 : i32 to vector<16xi32>
          %add3A_223 = arith.addi %and3A_207, %add3A_222 : vector<16xi32>
          %and3A_224 = arith.constant 127 : i32
          %and3A_225 = vector.broadcast %and3A_224 : i32 to vector<16xi32>
          %and3A_226 = arith.andi %add3A_223, %and3A_225 : vector<16xi32>
          scf.yield %add3A_220, %and3A_226 : vector<16xf32>, vector<16xi32>
        }
        %scan3A_114 = arith.constant 128 : i32
        %max3A = arith.constant 1.000000e-30 : f32
        %max3A_115 = vector.broadcast %max3A : f32 to vector<16xf32>
        %max3A_116 = arith.maximumf %scan3A_113#0, %max3A_115 : vector<16xf32>
        %bitcast_convert_type3A = tpu.bitcast %max3A_116 : vector<16xf32> -> vector<16xi32>
        %shift_right_arithmetic3A = arith.constant 1 : i32
        %shift_right_arithmetic3A_117 = vector.broadcast %shift_right_arithmetic3A : i32 to vector<16xi32>
        %shift_right_arithmetic3A_118 = arith.shrsi %bitcast_convert_type3A, %shift_right_arithmetic3A_117 : vector<16xi32>
        %sub3A = arith.constant 1597463007 : i32
        %sub3A_119 = vector.broadcast %sub3A : i32 to vector<16xi32>
        %sub3A_120 = arith.subi %sub3A_119, %shift_right_arithmetic3A_118 : vector<16xi32>
        %bitcast_convert_type3A_121 = tpu.bitcast %sub3A_120 : vector<16xi32> -> vector<16xf32>
        %mul3A_122 = arith.constant 5.000000e-01 : f32
        %mul3A_123 = vector.broadcast %mul3A_122 : f32 to vector<16xf32>
        %mul3A_124 = arith.mulf %max3A_116, %mul3A_123 : vector<16xf32>
        %mul3A_125 = arith.mulf %mul3A_124, %bitcast_convert_type3A_121 : vector<16xf32>
        %mul3A_126 = arith.mulf %mul3A_125, %bitcast_convert_type3A_121 : vector<16xf32>
        %sub3A_127 = arith.constant 1.500000e+00 : f32
        %sub3A_128 = vector.broadcast %sub3A_127 : f32 to vector<16xf32>
        %sub3A_129 = arith.subf %sub3A_128, %mul3A_126 : vector<16xf32>
        %mul3A_130 = arith.mulf %bitcast_convert_type3A_121, %sub3A_129 : vector<16xf32>
        %mul3A_131 = arith.mulf %mul3A_124, %mul3A_130 : vector<16xf32>
        %mul3A_132 = arith.mulf %mul3A_131, %mul3A_130 : vector<16xf32>
        %sub3A_133 = arith.constant 1.500000e+00 : f32
        %sub3A_134 = vector.broadcast %sub3A_133 : f32 to vector<16xf32>
        %sub3A_135 = arith.subf %sub3A_134, %mul3A_132 : vector<16xf32>
        %mul3A_136 = arith.mulf %mul3A_130, %sub3A_135 : vector<16xf32>
        %mul3A_137 = arith.mulf %mul3A_124, %mul3A_136 : vector<16xf32>
        %mul3A_138 = arith.mulf %mul3A_137, %mul3A_136 : vector<16xf32>
        %sub3A_139 = arith.constant 1.500000e+00 : f32
        %sub3A_140 = vector.broadcast %sub3A_139 : f32 to vector<16xf32>
        %sub3A_141 = arith.subf %sub3A_140, %mul3A_138 : vector<16xf32>
        %mul3A_142 = arith.mulf %mul3A_136, %sub3A_141 : vector<16xf32>
        %mul3A_143 = arith.mulf %max3A_116, %mul3A_142 : vector<16xf32>
        %neg3A = arith.constant 0.000000e+00 : f32
        %neg3A_144 = vector.broadcast %neg3A : f32 to vector<16xf32>
        %neg3A_145 = arith.subf %neg3A_144, %mul3A_143 : vector<16xf32>
        %mul3A_146 = arith.constant 64 : i32
        %mul3A_147 = arith.muli %add3A_68, %mul3A_146 : i32
        %mul3A_148 = arith.constant 16 : i32
        %mul3A_149 = arith.muli %add3A_103, %mul3A_148 : i32
        %add3A_150 = arith.addi %mul3A_147, %mul3A_149 : i32
        %swap3A = arith.index_cast %add3A_150 : i32 to index
        %swap3A_151 = tpu.vector_load %arg12[%swap3A] {strides = array<i32>} : memref<512xf32, #tpu.memory_space<vmem>>, vector<16xf32>,
        tpu.vector_store %arg12[%swap3A], %neg3A_145 {strides = array<i32>} : memref<512xf32, #tpu.memory_space<vmem>>, vector<16xf32>,
      }
      %scan3A_91 = arith.constant 4 : i32
      %add3A_92 = arith.constant 2 : i32
      %add3A_93 = arith.addi %add3A_68, %add3A_92 : i32
      %lt3A_94 = arith.constant 8 : i32
      %lt3A_95 = arith.cmpi slt, %add3A_93, %lt3A_94 : i32
      %convert_element_type3A_96 = arith.extui %lt3A_95 : i1 to i32
      %cond3A_97 = arith.constant 0 : i32
      %cond3A_98 = arith.cmpi ne, %convert_element_type3A_96, %cond3A_97 : i32
      scf.if %cond3A_98 {
        %add3A_99 = arith.constant 2 : i32
        %add3A_100 = arith.addi %add3A_68, %add3A_99 : i32
        %mul3A_101 = arith.constant 64 : i32
        %mul3A_102 = arith.muli %add3A_100, %mul3A_101 : i32
        %add3A_103 = arith.addi %mul3A_2, %mul3A_102 : i32
        %dma_start3A_104 = arith.constant 0 : i32
        %dma_start3A_105 = tpu.memref_slice %arg2[%add3A_103, %dma_start3A_104] : memref<16384x128xf32, #tpu.memory_space<hbm>> -> memref<64x128xf32, #tpu.memory_space<hbm>>
        %dma_start3A_106 = arith.constant 0 : i32
        %dma_start3A_107 = tpu.memref_slice %arg2[%add3A_103, %dma_start3A_106] : memref<16384x128xf32, #tpu.memory_space<hbm>> -> memref<64x128xf32, #tpu.memory_space<hbm>>
        tpu.enqueue_dma source(%dma_start3A_107 : memref<64x128xf32, #tpu.memory_space<hbm>>) target(%arg9 : memref<64x128xf32, #tpu.memory_space<vmem>>) target_semaphore(%arg14 : memref<!tpu.dma_semaphore, #tpu.memory_space<semaphore_mem>>)
        %dma_start3A_108 = arith.constant 0 : i32
        %dma_start3A_109 = tpu.memref_slice %arg3[%add3A_103, %dma_start3A_108] : memref<16384x128xf32, #tpu.memory_space<hbm>> -> memref<64x128xf32, #tpu.memory_space<hbm>>
        %dma_start3A_110 = arith.constant 0 : i32
        %dma_start3A_111 = tpu.memref_slice %arg3[%add3A_103, %dma_start3A_110] : memref<16384x128xf32, #tpu.memory_space<hbm>> -> memref<64x128xf32, #tpu.memory_space<hbm>>
        tpu.enqueue_dma source(%dma_start3A_111 : memref<64x128xf32, #tpu.memory_space<hbm>>) target(%arg10 : memref<64x128xf32, #tpu.memory_space<vmem>>) target_semaphore(%arg14 : memref<!tpu.dma_semaphore, #tpu.memory_space<semaphore_mem>>)
        %dma_start3A_112 = arith.constant 0 : i32
        %dma_start3A_113 = tpu.memref_slice %arg4[%add3A_103, %dma_start3A_112] : memref<16384x128xf32, #tpu.memory_space<hbm>> -> memref<64x128xf32, #tpu.memory_space<hbm>>
        %dma_start3A_114 = arith.constant 0 : i32
        %dma_start3A_115 = tpu.memref_slice %arg4[%add3A_103, %dma_start3A_114] : memref<16384x128xf32, #tpu.memory_space<hbm>> -> memref<64x128xf32, #tpu.memory_space<hbm>>
        tpu.enqueue_dma source(%dma_start3A_115 : memref<64x128xf32, #tpu.memory_space<hbm>>) target(%arg11 : memref<64x128xf32, #tpu.memory_space<vmem>>) target_semaphore(%arg14 : memref<!tpu.dma_semaphore, #tpu.memory_space<semaphore_mem>>)
      } else {
      }
    }
    %scan3A_33 = arith.constant 4 : i32
    "tpu.region"() ({
      %run_scoped3A = tpu.sem_alloc : memref<!tpu.dma_semaphore, #tpu.memory_space<semaphore_mem>>
      %dma_start3A_34 = tpu.memref_slice %arg5[%mul3A_2] : memref<16384xf32, #tpu.memory_space<hbm>> -> memref<512xf32, #tpu.memory_space<hbm>>
      %dma_start3A_35 = tpu.memref_slice %arg5[%mul3A_2] : memref<16384xf32, #tpu.memory_space<hbm>> -> memref<512xf32, #tpu.memory_space<hbm>>
      tpu.enqueue_dma source(%arg12 : memref<512xf32, #tpu.memory_space<vmem>>) target(%dma_start3A_35 : memref<512xf32, #tpu.memory_space<hbm>>) target_semaphore(%run_scoped3A : memref<!tpu.dma_semaphore, #tpu.memory_space<semaphore_mem>>)
      %dma_wait3A = tpu.memref_slice %arg5[%mul3A_2] : memref<16384xf32, #tpu.memory_space<hbm>> -> memref<512xf32, #tpu.memory_space<hbm>>
      %dma_wait3A_36 = tpu.memref_slice %arg5[%mul3A_2] : memref<16384xf32, #tpu.memory_space<hbm>> -> memref<512xf32, #tpu.memory_space<hbm>>
      tpu.wait_dma2 semaphore(%run_scoped3A : memref<!tpu.dma_semaphore, #tpu.memory_space<semaphore_mem>>) src(%arg12 : memref<512xf32, #tpu.memory_space<vmem>>) dst(%dma_wait3A_36 : memref<512xf32, #tpu.memory_space<hbm>>)
      tpu.yield
    }) : () -> ()
    return
  }
}

</mosaic_0001>

<sc_bundles>
// kernel: _score.3.cloned.1.call-start
scs
__scs_entry_jumppad:
0x0: {  	(pc) =	sbr.rel $0x88, $3  }
0x1: {  	(tag) =	ssettag $0x0;
	lr =	simm.s32 $0x1  }
0x2: {  	[smem:$0x3FA0] =	sst lr;
	_ =	strace $0xD0000000  }
0x3: {  	_ = 	snop  }
0x4: {  	_ = 	snop  }
0x5: {  	_ = 	snop  }
0x6: {  	_ = 	snop  }
0x7: {  	_ = 	snop  }
__scs_overlays_trampoline_lowered:
0x8: {  	[smem:$0x3FAF] =	sst s0  }
0x9: {  	[smem:$0x3FB0] =	sst s1  }
0xa: {  	[smem:$0x3FB1] =	sst s2  }
0xb: {  	[smem:$0x3FB2] =	sst s3  }
0xc: {  	[smem:$0x3FB3] =	sst s4  }
0xd: {  	[smem:$0x3FB4] =	sst s5  }
0xe: {  	[smem:$0x3FB5] =	sst s6  }
0xf: {  	[smem:$0x3FB6] =	sst s7  }
0x10: {  	[smem:$0x3FB7] =	sst s8  }
0x11: {  	[smem:$0x3FB8] =	sst s9;
	s0 =	simm.s32 @!p0 $0x0  }
0x12: {  	s1 =	sld [smem:$0x3F9E];
	s0 =	simm.s32 @p0 $0x1  }
0x13: {  	[smem:$0x3FB9] =	sst s0;
	s0 =	simm.s32 @!p1 $0x0  }
0x14: {  	s2 =	sld [smem:$0x3F9D];
	s0 =	simm.s32 @p1 $0x1  }
0x15: {  	[smem:$0x3FBA] =	sst s0;
	s0 =	simm.s32 @!p2 $0x0  }
0x16: {  	s3 =	sld [smem:$0x3FDB];
	s0 =	simm.s32 @p2 $0x1  }
0x17: {  	s4 =	simm.s32 $0x1BF5;
	[smem:$0x3FBC] =	sst s0  }
0x18: {  	s0 =	sld [smem:$0x3F9F];
	_ =	swait.ge [sflag:s4], $0x0  }
0x19: {  	s7 =	sld [smem:$0x3FA0]  }
0x1a: {  	s8 =	sadd.s32 $0xFFFFE003, lr  }
0x1b: {  	s9 =	sadd.s32 $0xFFFFFEF7, lr;
	s5 =	simm.s32 $0xFFFFFFFF;
	p2 =	slt.u32 s8, $0xFFFFF086  }
0x1c: {  	p1 =	slt.u32 s9, $0xF7A;
	s5 =	simm.s32 @!p2 $0x0  }
0x1d: {  	s5 =	simm.s32 @p1 $0x1;
	p0 =	seq.s32 s7, s2  }
0x1e: {  	s7 =	smul.u32 @!p0 $0xF7A, s2;
	p2 =	seq.s32 @!p0 s5, $0x0  }
0x1f: {  	s9 =	smul.u32 $0xF7A, s1;
	s8 =	simm.s32 @!p0 $0x1BF5;
	p2 =	por !p2, p0  }
0x20: {  	[sflag:s8] =	ssyncset.s32 @!p0 $0xFFFFF086;
	s6 =	sadd.s32 @!p0 s3, s7;
	s7 =	simm.s32 @!p0 $0x108  }
0x21: {  	s3 =	sadd.s32 s3, s9;
	s6 =	sadd.s32 @!p0 $0x88, s6;
	s7 =	simm.s32 @p2 $0x1082  }
0x22: {  	[simem:s7], [sflag:s8] =	dma.local @!p0 [hbm:s6], $0xF7A  }
0x23: {  	s9 =	sor.u32 $0xD0000000, s2;
	s6 =	simm.s32 $0x108;
	_ =	swait.ge @!p0 [sflag:s8], $0x0  }
0x24: {  	s3 =	sadd.s32 $0x88, s3;
	s6 =	simm.s32 @!p1 $0x1082;
	[sflag:s4] =	ssyncset.s32 $0xFFFFF086  }
0x25: {  	[simem:s6], [sflag:s4] =	dma.local [hbm:s3], $0xF7A  }
0x26: {  	[smem:$0x3FA0] =	sst s1;
	(tag) =	ssettag s2;
	_ =	strace s9  }
0x27: {  	s1 =	sld [smem:$0x3FB0]  }
0x28: {  	s2 =	sld [smem:$0x3FB1]  }
0x29: {  	s4 =	sld [smem:$0x3FB3]  }
0x2a: {  	p0 =	seq.s32 s5, $0x0;
	s5 =	sld [smem:$0x3FB4]  }
0x2b: {  	s6 =	sld [smem:$0x3FB5]  }
0x2c: {  	s7 =	sld [smem:$0x3FB6]  }
0x2d: {  	s3 =	simm.s32 $0x108;
	s8 =	sld [smem:$0x3FB7]  }
0x2e: {  	s3 =	simm.s32 @!p0 $0x1082;
	s9 =	sld [smem:$0x3FB8]  }
0x2f: {  	lr =	sadd.s32 s0, s3;
	s0 =	sld [smem:$0x3FAF]  }
0x30: {  	s3 =	sld [smem:$0x3FB2]  }
0x31: {  	[smem:$0x3FBB] =	sst s10  }
0x32: {  	s10 =	sld [smem:$0x3FB9];
	_ =	sdelay $0x3  }
0x33: {  	p0 =	seq.s32 s10, $0x1;
	s10 =	sld [smem:$0x3FBB];
	_ =	sdelay $0x3  }
0x34: {  	[smem:$0x3FBB] =	sst s10  }
0x35: {  	s10 =	sld [smem:$0x3FBA];
	_ =	sdelay $0x3  }
0x36: {  	p1 =	seq.s32 s10, $0x1;
	s10 =	sld [smem:$0x3FBB];
	_ =	sdelay $0x3  }
0x37: {  	[smem:$0x3FBB] =	sst s10  }
0x38: {  	s10 =	sld [smem:$0x3FBC]  }
0x39: {  	_ = 	snop;
	(pc) =	sbr.ind lr, $3  }
0x3a: {  	_ = 	snop  }
0x3b: {  	_ = 	snop  }
0x3c: {  	p2 =	seq.s32 s10, $0x1;
	s10 =	sld [smem:$0x3FBB]  }
0x3d: {  	_ =	shalt  }
0x3e: {  	_ =	shalt  }
0x3f: {  	_ =	shalt  }
0x40: {  	_ =	shalt  }
0x41: {  	_ =	shalt  }
0x42: {  	_ =	shalt  }
0x43: {  	_ =	shalt  }
0x44: {  	_ =	shalt  }
0x45: {  	_ =	shalt  }
0x46: {  	_ =	shalt  }
0x47: {  	_ =	shalt  }
0x48: {  	_ =	shalt  }
0x49: {  	_ =	shalt  }
0x4a: {  	_ =	shalt  }
0x4b: {  	_ =	shalt  }
0x4c: {  	_ =	shalt  }
0x4d: {  	_ =	shalt  }
0x4e: {  	_ =	shalt  }
0x4f: {  	_ =	shalt  }
0x50: {  	_ =	shalt  }
0x51: {  	_ =	shalt  }
0x52: {  	_ =	shalt  }
0x53: {  	_ =	shalt  }
0x54: {  	_ =	shalt  }
0x55: {  	_ =	shalt  }
0x56: {  	_ =	shalt  }
0x57: {  	_ =	shalt  }
0x58: {  	_ =	shalt  }
0x59: {  	_ =	shalt  }
0x5a: {  	_ =	shalt  }
0x5b: {  	_ =	shalt  }
0x5c: {  	_ =	shalt  }
0x5d: {  	_ =	shalt  }
0x5e: {  	_ =	shalt  }
0x5f: {  	_ =	shalt  }
0x60: {  	_ =	shalt  }
0x61: {  	_ =	shalt  }
0x62: {  	_ =	shalt  }
0x63: {  	_ =	shalt  }
0x64: {  	_ =	shalt  }
0x65: {  	_ =	shalt  }
0x66: {  	_ =	shalt  }
0x67: {  	_ =	shalt  }
0x68: {  	_ =	shalt  }
0x69: {  	_ =	shalt  }
0x6a: {  	_ =	shalt  }
0x6b: {  	_ =	shalt  }
0x6c: {  	_ =	shalt  }
0x6d: {  	_ =	shalt  }
0x6e: {  	_ =	shalt  }
0x6f: {  	_ =	shalt  }
0x70: {  	_ =	shalt  }
0x71: {  	_ =	shalt  }
0x72: {  	_ =	shalt  }
0x73: {  	_ =	shalt  }
0x74: {  	_ =	shalt  }
0x75: {  	_ =	shalt  }
0x76: {  	_ =	shalt  }
0x77: {  	_ =	shalt  }
0x78: {  	_ =	shalt  }
0x79: {  	_ =	shalt  }
0x7a: {  	_ =	shalt  }
0x7b: {  	_ =	shalt  }
0x7c: {  	_ =	shalt  }
0x7d: {  	_ =	shalt  }
0x7e: {  	_ =	shalt  }
0x7f: {  	_ =	shalt  }
0x80: {  	_ =	shalt  }
0x81: {  	_ =	shalt  }
0x82: {  	_ =	shalt  }
0x83: {  	_ =	shalt  }
0x84: {  	_ =	shalt  }
0x85: {  	_ =	shalt  }
0x86: {  	_ =	shalt  }
0x87: {  	_ =	shalt  }
.Lfunc_end0:
.L_simem_size_0:
called_computation_lowered:
.L_overlay_start_0:
0x88: {  	s2 =	sld [smem:$0x3FD9]  }
0x89: {  	s3 =	sld [smem:$0x3FFE];
	_ =	sdelay $0x1  }
0x8a: {  	s1 =	srdreg.scid  }
0x8b: {  	s0 =	sand.u32 $0x1, s1  }
0x8c: {  	s17 =	sshll.u32 s0, $0xA;
	s2 =	sadd.s32 s3, s2  }
0x8d: {  	s2 =	sadd.s32 s2, s17  }
0x8e: {  	[smem:$0x3FC7] =	sst s2  }
0x8f: {  	_ = 	snop  }
0x90: {  	s2 =	sld [smem:$0x3FD0];
	(tm) =	ssettm $0x1  }
0x91: {  	s18 =	sld [smem:$0x3FFB];
	_ =	sdelay $0x3  }
0x92: {  	_ =	strace s18  }
0x93: {  	s3 =	sld [smem:$0x3FFC];
	_ =	sdelay $0x3  }
0x94: {  	_ =	strace s3  }
0x95: {  	s3 =	sld [smem:$0x3FFD];
	_ =	sdelay $0x3  }
0x96: {  	_ =	strace s3  }
0x97: {  	_ =	strace $0x8FFFFFFF  }
0x98: {  	s19 =	sld [smem:$0x3FDB];
	_ =	sdelay $0x1  }
0x99: {  	s4 =	simm.s32 $_scs_section_size  }
0x9a: {  	s5 =	simm.s32 $_size__tile_overlayer_lowered;
	s6 =	simm.s32 $_tile_overlayer_lowered  }
0x9b: {  	s22 =	simm.s32 $0x1BFF;
	s21 =	sshll.u32 s6, $0x1;
	s3 =	sadd.s32 s4, s19  }
0x9c: {  	s7 =	simm.s32 $0x0;
	s20 =	sshll.u32 s5, $0x1;
	s5 =	sadd.s32 s21, s3  }
0x9d: {  	[timem:s7], [sflag:s22] =	dma.local [hbm:s5], s20  }
0x9e: {  	_ =	swait.ge [sflag:s22], s20  }
0x9f: {  	s4 =	ssub.s32 $0x0, s20;
	[sflag:s22] =	ssyncset.done $0x0  }
0xa0: {  	[sflag:s22] =	ssyncadd.s32 s4;
	_ =	sdelay $0x1  }
0xa1: {  	s23 =	simm.s32 $0x1B8B  }
0xa2: {  	_ =	swait.ge [sflag:s23], $0x1  }
0xa3: {  	[sflag:s23] =	ssyncset.done $0x0  }
0xa4: {  	s25 =	simm.s32 $0x1B8E;
	s24 =	sld [smem:$0x3FFE];
	[sflag:s23] =	ssyncadd.s32 $0xFFFFFFFF  }
0xa5: {  	s26 =	simm.s32 $execute0_lowered;
	[smem:$0x3FD2] =	sst s25  }
0xa6: {  	s5 =	sshll.u32 s26, $0x1;
	_ =	strace $0x80000046;
	[dreg:$0x1] =	wrdreg $0xFFFFFFFF  }
0xa7: {  	s28 =	simm.s32 $_size_execute0_lowered;
	s3 =	sadd.s32 s3, s5;
	[dreg:$0x0] =	wrdreg $0x0  }
0xa8: {  	s5 =	sshll.u32 s28, $0x1;
	[dreg:$0x2] =	wrdreg s3  }
0xa9: {  	[dreg:$0x3] =	wrdreg s5  }
0xaa: {  	[dreg:$0x4] =	wrdreg $0xC0  }
0xab: {  	_ =	task [dreg:s7], $0x5FFFF  }
0xac: {  	[dreg:$0x1] =	wrdreg $0xFFFFFFFF  }
0xad: {  	[dreg:$0x0] =	wrdreg $0x60  }
0xae: {  	[dreg:$0x2] =	wrdreg s24  }
0xaf: {  	[dreg:$0x3] =	wrdreg s2  }
0xb0: {  	[dreg:$0x4] =	wrdreg $0x9  }
0xb1: {  	_ =	task.clear_ibuf [dreg:s7], $0x5FFFF;
	_ =	strace $0x90000046  }
0xb2: {  	s29 =	simm.s32 $0x9;
	_ =	strace $0x80000048  }
0xb3: {  	_ =	swait.ge [sflag:s29], $0x1  }
0xb4: {  	[sflag:s29] =	ssyncadd.s32 $0xFFFFFFFF  }
0xb5: {  	_ =	strace $0x90000048  }
0xb6: {  	_ =	sfence  }
0xb7: {  	s30 =	sld [smem:$0x0];
	_ =	sdelay $0x2  }
0xb8: {  	s31 =	sshll.u32 s1, $0xD;
	s1 =	sshrl.u32 s1, $0x2  }
0xb9: {  	s3 =	sand.u32 $0x4000, s31;
	s1 =	sadd.s32 s1, s30  }
0xba: {  	s0 =	sor.u32 s3, s0;
	s1 =	sshll.u32 s1, $0x11  }
0xbb: {  	s0 =	sor.u32 s1, s0  }
0xbc: {  	s0 =	sadd.s32 $0x8F2B, s0  }
0xbd: {  	[sflag:s0] =	ssyncadd.remote.s32 $0x1  }
0xbe: {  	_ =	sfence.sel $0xFFFF  }
0xbf: {  	[dreg:$0x0] =	wrdreg $0xFFFFFFFF;
	(pc) =	sbr.abs _section_cstart, $3  }
0xc0: {  	[dreg:$0x1] =	wrdreg $0xFFFFFFFF  }
0xc1: {  	_ =	task.clear_ibuf [dreg:s7], $0x2FFFF;
	_ =	strace $0x9FFFFFFF  }
0xc2: {  	(tm) =	ssettm $0x7FFFFFFF  }
0xc3: {  	_ =	shalt  }
tec
execute0_lowered:
.L_overlay_start_1:
0x0: {  	(tag) =	ssettag $0x1  }
0x1: {  	s5 =	rddreg [dreg:$0x0]  }
0x2: {  	s14 =	rddreg [dreg:$0x1]  }
0x3: {  	s2 =	simm.s32 $0x0;
	s3 =	srdreg.scid;
	s0 =	stileid.u32  }
0x4: {  	s17 =	simm.s32 $0x4000;
	s18 =	simm.s32 $0x6000;
	s19 =	simm.s32 $0x8000  }
0x5: {  	s20 =	simm.s32 $0xA000;
	s21 =	simm.s32 $0x1;
	s22 =	simm.s32 $0x2  }
0x6: {  	s23 =	simm.s32 $0xC000;
	s24 =	simm.s32 $0x3;
	s25 =	simm.s32 $0x0  }
0x7: {  	[smem:$0x7FF] =	sst s2;
	s4 =	sand.u32 $0x1, s3;
	s6 =	sshll.u32 s0, $0xA  }
0x8: {  	s3 =	sadd.s32 $0x80600, s5;
	_ =	strace $0x80000047;
	s7 =	sshll.u32 s4, $0x9  }
0x9: {  	s8 =	ssub.s32 $0x2, s4;
	s4 =	sadd.s32 $0x40600, s5;
	s15 =	sor.u32 s7, s6  }
0xa: {  	s5 =	sadd.s32 $0x600, s5;
	s31 =	sshrl.u32 s8, $0x1;
	s13 =	sshll.u32 s15, $0x4  }
.Ltmp0:
0xb: {  	s16 =	ssub.s32 s8, s31;
	s15 =	sshrl.u32 s15, $0x3;
	(pc) =	sbr.rel .LBB2_1-.Ltmp0, $4  }
0xc: {  	s6 =	sadd.s32 s3, s13;
	s7 =	sadd.s32 s4, s13;
	s8 =	sadd.s32 s5, s13  }
0xd: {  	s11 =	sor.u32 $0x400, s13;
	s12 =	sor.u32 $0x800, s13;
	s13 =	sor.u32 $0xC00, s13  }
0xe: {  	s14 =	sadd.s32 s14, s15;
	s15 =	smax.u32 s16, $0x1;
	s16 =	simm.s32 $0x2000  }
0xf: {  	s9 =	sadd.s32 s3, s11;
	s10 =	sadd.s32 s4, s11;
	s11 =	sadd.s32 s5, s11  }
.LBB2_12:
0x10: {  	s25 =	sadd.s32 $0x1, s25  }
0x11: {  	p0 =	sne.s32 s25, s15  }
.Ltmp1:
0x12: {  	_ = 	snop;
	(pc) =	sbr.rel @!p0 .LBB2_13-.Ltmp1, $4  }
0x13: {  	[hbm4b:s14+s2] =	stream.linear.scatter [tilespmem:s23], [sflag:$0x3], $0x200, $0x38;
	[tilespmem:$0xC200] =	vst v63  }
0x14: {  	_ =	swait.ge [sflag:s24], $0x200  }
0x15: {  	[sflag:s24] =	ssyncset.done $0x0  }
0x16: {  	[sflag:s24] =	ssyncadd.s32 $0xFFFFFE00  }
.LBB2_1:
0x17: {  	[tilespmem:s2], [sflag:$0x1] =	stream.linear.gather [hbm4b:s6+s2], $0x2000, $0x38;
	[tilespmem:$0xC200] =	vst v63  }
0x18: {  	_ = 	snop  }
0x19: {  	[tilespmem:s16], [sflag:$0x1] =	stream.linear.gather [hbm4b:s7+s2], $0x2000, $0x38;
	[tilespmem:$0xC200] =	vst v63  }
0x1a: {  	_ = 	snop  }
0x1b: {  	[tilespmem:s17], [sflag:$0x1] =	stream.linear.gather [hbm4b:s8+s2], $0x2000, $0x38;
	[tilespmem:$0xC200] =	vst v63  }
0x1c: {  	_ = 	snop  }
0x1d: {  	[tilespmem:s18], [sflag:$0x2] =	stream.linear.gather [hbm4b:s9+s2], $0x2000, $0x38;
	[tilespmem:$0xC200] =	vst v63  }
0x1e: {  	_ = 	snop  }
0x1f: {  	[tilespmem:s19], [sflag:$0x2] =	stream.linear.gather [hbm4b:s10+s2], $0x2000, $0x38;
	[tilespmem:$0xC200] =	vst v63  }
0x20: {  	s26 =	simm.s32 $0x0  }
0x21: {  	[tilespmem:s20], [sflag:$0x2] =	stream.linear.gather [hbm4b:s11+s2], $0x2000, $0x38;
	[tilespmem:$0xC200] =	vst v63  }
.LBB2_2:
0x22: {  	_ =	swait.ge [sflag:s21], $0x2000  }
0x23: {  	[sflag:s21] =	ssyncset.done $0x0  }
0x24: {  	[sflag:s21] =	ssyncadd.s32 $0xFFFFE000  }
0x25: {  	_ =	swait.ge [sflag:s21], $0x2000  }
0x26: {  	[sflag:s21] =	ssyncset.done $0x0  }
0x27: {  	s28 =	sshll.u32 s26, $0x7;
	[sflag:s21] =	ssyncadd.s32 $0xFFFFE000  }
0x28: {  	s29 =	sand.u32 $0x3FFFFF80, s28;
	_ =	swait.ge [sflag:s21], $0x2000  }
0x29: {  	s30 =	sadd.s32 $0xC000, s29;
	[sflag:s21] =	ssyncset.done $0x0  }
0x2a: {  	s28 =	simm.s32 $0x0;
	v0 =	vmov s30;
	[sflag:s21] =	ssyncadd.s32 $0xFFFFE000  }
.LBB2_3:
0x2b: {  	s30 =	sshll.u32 s28, $0x4;
	v2 =	vlaneseq.u32  }
0x2c: {  	v1 =	vmov s30;
	v3 =	vmul.u32 $0x80, v2  }
0x2d: {  	v1 =	vshll.u32 v1, $0x7  }
0x2e: {  	v1 =	vor.u32 v3, v1  }
0x2f: {  	v4 =	vadd.s32 $0x1, v2;
	v3 =	vor.u32 v1, v2  }
0x30: {  	v5 =	vadd.s32 $0x2, v2;
	v4 =	vand.u32 $0x7F, v4  }
0x31: {  	v5 =	vand.u32 $0x7F, v5;
	v4 =	vor.u32 v1, v4  }
0x32: {  	v5 =	vor.u32 v1, v5;
	_ =	sdelay $0x1  }
0x33: {  	v6 =	vld.idx.msk [tilespmem:v3+s16+$0x0], $0xffff  }
0x34: {  	v7 =	vld.idx.msk [tilespmem:v3+s2+$0x0], $0xffff  }
0x35: {  	v9 =	vadd.s32 $0x3, v2;
	v8 =	vld.idx.msk [tilespmem:v4+s17+$0x0], $0xffff  }
0x36: {  	v9 =	vand.u32 $0x7F, v9;
	v10 =	vld.idx.msk [tilespmem:v5+s2+$0x0], $0xffff  }
0x37: {  	v9 =	vor.u32 v1, v9;
	v11 =	vld.idx.msk [tilespmem:v4+s16+$0x0], $0xffff  }
0x38: {  	v2 =	vadd.s32 $0x4, v2;
	v12 =	vld.idx.msk [tilespmem:v5+s16+$0x0], $0xffff  }
0x39: {  	v14 =	vand.u32 $0x7F, v2;
	v13 =	vld.idx.msk [tilespmem:v4+s2+$0x0], $0xffff  }
0x3a: {  	v2 =	vor.u32 v1, v14;
	v4 =	vadd.s32 $0x1, v14;
	v3 =	vld.idx.msk [tilespmem:v3+s17+$0x0], $0xffff  }
0x3b: {  	v16 =	vld.idx.msk [tilespmem:v5+s17+$0x0], $0xffff;
	v4 =	vand.u32 $0x7F, v4  }
0x3c: {  	v15 =	vadd.s32 $0x2, v14;
	v18 =	vld.idx.msk [tilespmem:v9+s16+$0x0], $0xffff;
	v17 =	vor.u32 v1, v4  }
0x3d: {  	v19 =	vld.idx.msk [tilespmem:v9+s17+$0x0], $0xffff;
	v4 =	vand.u32 $0x7F, v15  }
0x3e: {  	v15 =	vld.idx.msk [tilespmem:v9+s2+$0x0], $0xffff;
	v4 =	vor.u32 v1, v4;
	v7 =	vadd.f32 v6, v7  }
0x3f: {  	v5 =	vld.idx.msk [tilespmem:v2+s16+$0x0], $0xffff;
	v9 =	vadd.f32 v12, v10  }
0x40: {  	v6 =	vld.idx.msk [tilespmem:v2+s2+$0x0], $0xffff;
	v11 =	vadd.f32 v11, v13;
	v10 =	vsub.f32 v7, v3  }
0x41: {  	v12 =	vadd.s32 $0x3, v14;
	v3 =	vld.idx.msk [tilespmem:v17+s17+$0x0], $0xffff;
	v13 =	vsub.f32 v9, v16  }
0x42: {  	v9 =	vand.u32 $0x7F, v12;
	v11 =	vsub.f32 v11, v8;
	v8 =	vld.idx.msk [tilespmem:v17+s16+$0x0], $0xffff;
	v16 =	vmul.f32 v10, v10  }
0x43: {  	v20 =	vimm.f32 $0.0e+00;
	v18 =	vadd.f32 v18, v15;
	v7 =	vld.idx.msk [tilespmem:v4+s2+$0x0], $0xffff;
	v9 =	vor.u32 v1, v9  }
0x44: {  	v14 =	vadd.s32 $0x4, v14;
	v10 =	vld.idx.msk [tilespmem:v4+s16+$0x0], $0xffff;
	v15 =	vadd.f32 v16, v20;
	v16 =	vmul.f32 v11, v11  }
0x45: {  	s31 =	simm.s32 $0x4;
	v12 =	vmul.f32 v13, v13;
	v13 =	vld.idx.msk [tilespmem:v17+s2+$0x0], $0xffff;
	v11 =	vand.u32 $0x7F, v14;
	v14 =	vsub.f32 v18, v19  }
.LBB2_4:
0x46: {  	v17 =	vadd.s32 $0x1, v11;
	s31 =	sadd.s32 $0x4, s31;
	v18 =	vld.idx.msk [tilespmem:v2+s17+$0x0], $0xffff;
	v2 =	vor.u32 v1, v11;
	v15 =	vadd.f32 v16, v15  }
0x47: {  	v16 =	vand.u32 $0x7F, v17;
	v17 =	vadd.s32 $0x2, v11;
	p0 =	slt.u32 s31, $0x7C;
	v19 =	vld.idx.msk [tilespmem:v4+s17+$0x0], $0xffff;
	v14 =	vmul.f32 v14, v14  }
0x48: {  	v20 =	vor.u32 v1, v16;
	v4 =	vand.u32 $0x7F, v17;
	v16 =	vld.idx.msk [tilespmem:v9+s2+$0x0], $0xffff;
	v12 =	vadd.f32 v12, v15  }
0x49: {  	v15 =	vadd.f32 v5, v6;
	v4 =	vor.u32 v1, v4;
	v17 =	vld.idx.msk [tilespmem:v9+s16+$0x0], $0xffff  }
0x4a: {  	v21 =	vld.idx.msk [tilespmem:v9+s17+$0x0], $0xffff;
	v14 =	vadd.f32 v14, v12  }
0x4b: {  	v7 =	vadd.f32 v10, v7;
	v8 =	vadd.f32 v8, v13;
	v5 =	vld.idx.msk [tilespmem:v2+s16+$0x0], $0xffff  }
0x4c: {  	v9 =	vsub.f32 v15, v18;
	v6 =	vld.idx.msk [tilespmem:v2+s2+$0x0], $0xffff  }
.Ltmp2:
0x4d: {  	v10 =	vadd.s32 $0x3, v11;
	v13 =	vsub.f32 v8, v3;
	v12 =	vsub.f32 v7, v19;
	v3 =	vld.idx.msk [tilespmem:v20+s17+$0x0], $0xffff;
	(pc) =	sbr.rel @p0 .LBB2_4-.Ltmp2, $4  }
0x4e: {  	v10 =	vand.u32 $0x7F, v10;
	v15 =	vmul.f32 v9, v9;
	v7 =	vld.idx.msk [tilespmem:v4+s2+$0x0], $0xffff  }
0x4f: {  	v9 =	vor.u32 v1, v10;
	v12 =	vmul.f32 v12, v12;
	v17 =	vadd.f32 v17, v16;
	v8 =	vld.idx.msk [tilespmem:v20+s16+$0x0], $0xffff  }
0x50: {  	v11 =	vadd.s32 $0x4, v11;
	v16 =	vmul.f32 v13, v13;
	v15 =	vadd.f32 v15, v14;
	v10 =	vld.idx.msk [tilespmem:v4+s16+$0x0], $0xffff  }
0x51: {  	v11 =	vand.u32 $0x7F, v11;
	v14 =	vsub.f32 v17, v21;
	v13 =	vld.idx.msk [tilespmem:v20+s2+$0x0], $0xffff  }
0x52: {  	_ =	sdelay $0x3  }
0x53: {  	v1 =	vld.idx.msk [tilespmem:v2+s17+$0x0], $0xffff;
	_ =	sdelay $0x1  }
0x54: {  	v2 =	vadd.f32 v16, v15;
	v4 =	vld.idx.msk [tilespmem:v4+s17+$0x0], $0xffff  }
0x55: {  	v11 =	vld.idx.msk [tilespmem:v9+s2+$0x0], $0xffff;
	v5 =	vadd.f32 v5, v6  }
0x56: {  	v59 =	vld.idx.msk [tilespmem:v9+s16+$0x0], $0xffff;
	v2 =	vadd.f32 v12, v2  }
0x57: {  	v60 =	vmul.f32 v14, v14;
	v8 =	vadd.f32 v8, v13;
	v1 =	vsub.f32 v5, v1  }
0x58: {  	v61 =	vld.idx.msk [tilespmem:v9+s17+$0x0], $0xffff;
	v7 =	vadd.f32 v10, v7  }
0x59: {  	v2 =	vadd.f32 v60, v2;
	v3 =	vsub.f32 v8, v3;
	v1 =	vmul.f32 v1, v1  }
0x5a: {  	v4 =	vsub.f32 v7, v4  }
0x5b: {  	v6 =	vadd.f32 v59, v11;
	v1 =	vadd.f32 v1, v2;
	v2 =	vmul.f32 v3, v3;
	_ =	sdelay $0x1  }
0x5c: {  	v62 =	vsub.f32 v6, v61;
	v3 =	vmul.f32 v4, v4;
	v1 =	vadd.f32 v2, v1;
	_ =	sdelay $0x1  }
0x5d: {  	v2 =	vmul.f32 v62, v62;
	v1 =	vadd.f32 v3, v1;
	_ =	sdelay $0x1  }
0x5e: {  	v1 =	vadd.f32 v2, v1;
	_ =	sdelay $0x1  }
0x5f: {  	v1 =	vmax.f32 v1, $1.000000000e-30  }
0x60: {  	v2 =	vshra.s32 v1, $0x1;
	v3 =	vmul.f32 $5.000000000e-01, v1  }
0x61: {  	v2 =	vsub.s32 $0x5F3759DF, v2  }
0x62: {  	v63 =	vmul.f32 v2, v3;
	_ =	sdelay $0x1  }
0x63: {  	v4 =	vmul.f32 v2, v63;
	_ =	sdelay $0x1  }
0x64: {  	v4 =	vsub.f32 $1.500000000e+00, v4;
	_ =	sdelay $0x1  }
0x65: {  	v2 =	vmul.f32 v2, v4;
	_ =	sdelay $0x1  }
0x66: {  	v4 =	vmul.f32 v2, v3;
	_ =	sdelay $0x1  }
0x67: {  	v4 =	vmul.f32 v4, v2;
	_ =	sdelay $0x1  }
0x68: {  	v4 =	vsub.f32 $1.500000000e+00, v4;
	_ =	sdelay $0x1  }
0x69: {  	v2 =	vmul.f32 v4, v2;
	_ =	sdelay $0x1  }
0x6a: {  	v3 =	vmul.f32 v2, v3;
	_ =	sdelay $0x1  }
0x6b: {  	v3 =	vmul.f32 v3, v2;
	_ =	sdelay $0x1  }
0x6c: {  	v3 =	vsub.f32 $1.500000000e+00, v3;
	_ =	sdelay $0x1  }
0x6d: {  	s28 =	sadd.s32 $0x1, s28;
	v2 =	vmul.f32 v3, v2  }
0x6e: {  	p0 =	sne.s32 s28, $0x4  }
.Ltmp3:
0x6f: {  	v1 =	vmul.f32 v2, v1;
	(pc) =	sbr.rel @p0 .LBB2_3-.Ltmp3, $3  }
0x70: {  	_ = 	snop  }
0x71: {  	v1 =	vsub.f32 $0.0e+00, v1;
	_ =	sdelay $0x1  }
0x72: {  	[tilespmem:v0+s30+$0x0 ss:$0x1] =	vst.idx.msk $0xffff, v1  }
0x73: {  	s28 =	sshll.u32 s26, $0xB;
	p0 =	seq.s32 s26, $0x3  }
0x74: {  	s30 =	sadd.s32 @!p0 s28, s12  }
0x75: {  	s0 =	simm.s32 @!p0 $0x0;
	s31 =	sadd.s32 @!p0 s3, s30  }
0x76: {  	[tilespmem:s0], [sflag:$0x1] =	stream.linear.gather @!p0 [hbm4b:s31+s0], $0x2000, $0x38;
	[tilespmem:$0xC200] =	vst v63  }
0x77: {  	s1 =	simm.s32 @!p0 $0x2000;
	s31 =	sadd.s32 @!p0 s4, s30  }
0x78: {  	[tilespmem:s1], [sflag:$0x1] =	stream.linear.gather @!p0 [hbm4b:s31+s0], $0x2000, $0x38;
	[tilespmem:$0xC200] =	vst v63  }
0x79: {  	s1 =	sadd.s32 @!p0 s5, s30;
	s30 =	simm.s32 @!p0 $0x4000  }
0x7a: {  	[tilespmem:s30], [sflag:$0x1] =	stream.linear.gather @!p0 [hbm4b:s1+s0], $0x2000, $0x38;
	[tilespmem:$0xC200] =	vst v63  }
0x7b: {  	_ =	swait.ge [sflag:s22], $0x2000  }
0x7c: {  	[sflag:s22] =	ssyncset.done $0x0  }
0x7d: {  	[sflag:s22] =	ssyncadd.s32 $0xFFFFE000  }
0x7e: {  	_ =	swait.ge [sflag:s22], $0x2000  }
0x7f: {  	[sflag:s22] =	ssyncset.done $0x0  }
0x80: {  	[sflag:s22] =	ssyncadd.s32 $0xFFFFE000  }
0x81: {  	_ =	swait.ge [sflag:s22], $0x2000  }
0x82: {  	s31 =	sadd.s32 $0xC040, s29;
	[sflag:s22] =	ssyncset.done $0x0  }
0x83: {  	s29 =	simm.s32 $0x0;
	v0 =	vmov s31;
	[sflag:s22] =	ssyncadd.s32 $0xFFFFE000  }
.LBB2_7:
0x84: {  	s30 =	sshll.u32 s29, $0x4;
	v2 =	vlaneseq.u32  }
0x85: {  	v1 =	vmov s30;
	v3 =	vmul.u32 $0x80, v2  }
0x86: {  	v1 =	vshll.u32 v1, $0x7  }
0x87: {  	v1 =	vor.u32 v3, v1  }
0x88: {  	v4 =	vadd.s32 $0x1, v2;
	v3 =	vor.u32 v1, v2  }
0x89: {  	v5 =	vadd.s32 $0x2, v2;
	v4 =	vand.u32 $0x7F, v4  }
0x8a: {  	v5 =	vand.u32 $0x7F, v5;
	v4 =	vor.u32 v1, v4  }
0x8b: {  	v5 =	vor.u32 v1, v5;
	_ =	sdelay $0x1  }
0x8c: {  	v6 =	vld.idx.msk [tilespmem:v3+s19+$0x0], $0xffff  }
0x8d: {  	v7 =	vld.idx.msk [tilespmem:v3+s18+$0x0], $0xffff  }
0x8e: {  	v9 =	vadd.s32 $0x3, v2;
	v8 =	vld.idx.msk [tilespmem:v4+s20+$0x0], $0xffff  }
0x8f: {  	v9 =	vand.u32 $0x7F, v9;
	v10 =	vld.idx.msk [tilespmem:v5+s18+$0x0], $0xffff  }
0x90: {  	v9 =	vor.u32 v1, v9;
	v11 =	vld.idx.msk [tilespmem:v4+s19+$0x0], $0xffff  }
0x91: {  	v2 =	vadd.s32 $0x4, v2;
	v12 =	vld.idx.msk [tilespmem:v5+s19+$0x0], $0xffff  }
0x92: {  	v14 =	vand.u32 $0x7F, v2;
	v13 =	vld.idx.msk [tilespmem:v4+s18+$0x0], $0xffff  }
0x93: {  	v2 =	vor.u32 v1, v14;
	v4 =	vadd.s32 $0x1, v14;
	v3 =	vld.idx.msk [tilespmem:v3+s20+$0x0], $0xffff  }
0x94: {  	v16 =	vld.idx.msk [tilespmem:v5+s20+$0x0], $0xffff;
	v4 =	vand.u32 $0x7F, v4  }
0x95: {  	v15 =	vadd.s32 $0x2, v14;
	v18 =	vld.idx.msk [tilespmem:v9+s19+$0x0], $0xffff;
	v17 =	vor.u32 v1, v4  }
0x96: {  	v19 =	vld.idx.msk [tilespmem:v9+s20+$0x0], $0xffff;
	v4 =	vand.u32 $0x7F, v15  }
0x97: {  	v15 =	vld.idx.msk [tilespmem:v9+s18+$0x0], $0xffff;
	v4 =	vor.u32 v1, v4;
	v7 =	vadd.f32 v6, v7  }
0x98: {  	v5 =	vld.idx.msk [tilespmem:v2+s19+$0x0], $0xffff;
	v9 =	vadd.f32 v12, v10  }
0x99: {  	v6 =	vld.idx.msk [tilespmem:v2+s18+$0x0], $0xffff;
	v11 =	vadd.f32 v11, v13;
	v10 =	vsub.f32 v7, v3  }
0x9a: {  	v12 =	vadd.s32 $0x3, v14;
	v3 =	vld.idx.msk [tilespmem:v17+s20+$0x0], $0xffff;
	v13 =	vsub.f32 v9, v16  }
0x9b: {  	v9 =	vand.u32 $0x7F, v12;
	v11 =	vsub.f32 v11, v8;
	v8 =	vld.idx.msk [tilespmem:v17+s19+$0x0], $0xffff;
	v16 =	vmul.f32 v10, v10  }
0x9c: {  	v20 =	vimm.f32 $0.0e+00;
	v18 =	vadd.f32 v18, v15;
	v7 =	vld.idx.msk [tilespmem:v4+s18+$0x0], $0xffff;
	v9 =	vor.u32 v1, v9  }
0x9d: {  	v14 =	vadd.s32 $0x4, v14;
	v10 =	vld.idx.msk [tilespmem:v4+s19+$0x0], $0xffff;
	v15 =	vadd.f32 v16, v20;
	v16 =	vmul.f32 v11, v11  }
0x9e: {  	s31 =	simm.s32 $0x4;
	v12 =	vmul.f32 v13, v13;
	v13 =	vld.idx.msk [tilespmem:v17+s18+$0x0], $0xffff;
	v11 =	vand.u32 $0x7F, v14;
	v14 =	vsub.f32 v18, v19  }
.LBB2_8:
0x9f: {  	v17 =	vadd.s32 $0x1, v11;
	s31 =	sadd.s32 $0x4, s31;
	v18 =	vld.idx.msk [tilespmem:v2+s20+$0x0], $0xffff;
	v2 =	vor.u32 v1, v11;
	v15 =	vadd.f32 v16, v15  }
0xa0: {  	v16 =	vand.u32 $0x7F, v17;
	v17 =	vadd.s32 $0x2, v11;
	p1 =	slt.u32 s31, $0x7C;
	v19 =	vld.idx.msk [tilespmem:v4+s20+$0x0], $0xffff;
	v14 =	vmul.f32 v14, v14  }
0xa1: {  	v20 =	vor.u32 v1, v16;
	v4 =	vand.u32 $0x7F, v17;
	v16 =	vld.idx.msk [tilespmem:v9+s18+$0x0], $0xffff;
	v12 =	vadd.f32 v12, v15  }
0xa2: {  	v15 =	vadd.f32 v5, v6;
	v4 =	vor.u32 v1, v4;
	v17 =	vld.idx.msk [tilespmem:v9+s19+$0x0], $0xffff  }
0xa3: {  	v21 =	vld.idx.msk [tilespmem:v9+s20+$0x0], $0xffff;
	v14 =	vadd.f32 v14, v12  }
0xa4: {  	v7 =	vadd.f32 v10, v7;
	v8 =	vadd.f32 v8, v13;
	v5 =	vld.idx.msk [tilespmem:v2+s19+$0x0], $0xffff  }
0xa5: {  	v9 =	vsub.f32 v15, v18;
	v6 =	vld.idx.msk [tilespmem:v2+s18+$0x0], $0xffff  }
.Ltmp4:
0xa6: {  	v10 =	vadd.s32 $0x3, v11;
	v13 =	vsub.f32 v8, v3;
	v12 =	vsub.f32 v7, v19;
	v3 =	vld.idx.msk [tilespmem:v20+s20+$0x0], $0xffff;
	(pc) =	sbr.rel @p1 .LBB2_8-.Ltmp4, $4  }
0xa7: {  	v10 =	vand.u32 $0x7F, v10;
	v15 =	vmul.f32 v9, v9;
	v7 =	vld.idx.msk [tilespmem:v4+s18+$0x0], $0xffff  }
0xa8: {  	v9 =	vor.u32 v1, v10;
	v12 =	vmul.f32 v12, v12;
	v17 =	vadd.f32 v17, v16;
	v8 =	vld.idx.msk [tilespmem:v20+s19+$0x0], $0xffff  }
0xa9: {  	v11 =	vadd.s32 $0x4, v11;
	v16 =	vmul.f32 v13, v13;
	v15 =	vadd.f32 v15, v14;
	v10 =	vld.idx.msk [tilespmem:v4+s19+$0x0], $0xffff  }
0xaa: {  	v11 =	vand.u32 $0x7F, v11;
	v14 =	vsub.f32 v17, v21;
	v13 =	vld.idx.msk [tilespmem:v20+s18+$0x0], $0xffff  }
0xab: {  	_ =	sdelay $0x3  }
0xac: {  	v1 =	vld.idx.msk [tilespmem:v2+s20+$0x0], $0xffff;
	_ =	sdelay $0x1  }
0xad: {  	v2 =	vadd.f32 v16, v15;
	v4 =	vld.idx.msk [tilespmem:v4+s20+$0x0], $0xffff  }
0xae: {  	v11 =	vld.idx.msk [tilespmem:v9+s18+$0x0], $0xffff;
	v5 =	vadd.f32 v5, v6  }
0xaf: {  	v59 =	vld.idx.msk [tilespmem:v9+s19+$0x0], $0xffff;
	v2 =	vadd.f32 v12, v2  }
0xb0: {  	v60 =	vmul.f32 v14, v14;
	v8 =	vadd.f32 v8, v13;
	v1 =	vsub.f32 v5, v1  }
0xb1: {  	v61 =	vld.idx.msk [tilespmem:v9+s20+$0x0], $0xffff;
	v7 =	vadd.f32 v10, v7  }
0xb2: {  	v2 =	vadd.f32 v60, v2;
	v3 =	vsub.f32 v8, v3;
	v1 =	vmul.f32 v1, v1  }
0xb3: {  	v4 =	vsub.f32 v7, v4  }
0xb4: {  	v6 =	vadd.f32 v59, v11;
	v1 =	vadd.f32 v1, v2;
	v2 =	vmul.f32 v3, v3;
	_ =	sdelay $0x1  }
0xb5: {  	v62 =	vsub.f32 v6, v61;
	v3 =	vmul.f32 v4, v4;
	v1 =	vadd.f32 v2, v1;
	_ =	sdelay $0x1  }
0xb6: {  	v2 =	vmul.f32 v62, v62;
	v1 =	vadd.f32 v3, v1;
	_ =	sdelay $0x1  }
0xb7: {  	v1 =	vadd.f32 v2, v1;
	_ =	sdelay $0x1  }
0xb8: {  	v1 =	vmax.f32 v1, $1.000000000e-30  }
0xb9: {  	v2 =	vshra.s32 v1, $0x1;
	v3 =	vmul.f32 $5.000000000e-01, v1  }
0xba: {  	v2 =	vsub.s32 $0x5F3759DF, v2  }
0xbb: {  	v63 =	vmul.f32 v2, v3;
	_ =	sdelay $0x1  }
0xbc: {  	v4 =	vmul.f32 v2, v63;
	_ =	sdelay $0x1  }
0xbd: {  	v4 =	vsub.f32 $1.500000000e+00, v4;
	_ =	sdelay $0x1  }
0xbe: {  	v2 =	vmul.f32 v2, v4;
	_ =	sdelay $0x1  }
0xbf: {  	v4 =	vmul.f32 v2, v3;
	_ =	sdelay $0x1  }
0xc0: {  	v4 =	vmul.f32 v4, v2;
	_ =	sdelay $0x1  }
0xc1: {  	v4 =	vsub.f32 $1.500000000e+00, v4;
	_ =	sdelay $0x1  }
0xc2: {  	v2 =	vmul.f32 v4, v2;
	_ =	sdelay $0x1  }
0xc3: {  	v3 =	vmul.f32 v2, v3;
	_ =	sdelay $0x1  }
0xc4: {  	v3 =	vmul.f32 v3, v2;
	_ =	sdelay $0x1  }
0xc5: {  	v3 =	vsub.f32 $1.500000000e+00, v3;
	_ =	sdelay $0x1  }
0xc6: {  	s29 =	sadd.s32 $0x1, s29;
	v2 =	vmul.f32 v3, v2  }
0xc7: {  	p1 =	sne.s32 s29, $0x4  }
.Ltmp5:
0xc8: {  	v1 =	vmul.f32 v2, v1;
	(pc) =	sbr.rel @p1 .LBB2_7-.Ltmp5, $3  }
0xc9: {  	_ = 	snop  }
0xca: {  	v1 =	vsub.f32 $0.0e+00, v1;
	_ =	sdelay $0x1  }
0xcb: {  	[tilespmem:v0+s30+$0x0 ss:$0x1] =	vst.idx.msk $0xffff, v1  }
.Ltmp6:
0xcc: {  	(pc) =	sbr.rel @p0 .LBB2_12-.Ltmp6, $1  }
0xcd: {  	_ =	sdelay $0x3  }
0xce: {  	s0 =	sadd.s32 s28, s13  }
0xcf: {  	s1 =	sadd.s32 s3, s0  }
0xd0: {  	[tilespmem:s18], [sflag:$0x2] =	stream.linear.gather [hbm4b:s1+s2], $0x2000, $0x38;
	[tilespmem:$0xC200] =	vst v63  }
.Ltmp7:
0xd1: {  	_ = 	snop;
	(pc) =	sbr.rel .LBB2_2-.Ltmp7, $4  }
0xd2: {  	s31 =	sadd.s32 s4, s0  }
0xd3: {  	[tilespmem:s19], [sflag:$0x2] =	stream.linear.gather [hbm4b:s31+s2], $0x2000, $0x38;
	[tilespmem:$0xC200] =	vst v63  }
0xd4: {  	s26 =	sadd.s32 $0x1, s26;
	s0 =	sadd.s32 s5, s0  }
0xd5: {  	[tilespmem:s20], [sflag:$0x2] =	stream.linear.gather [hbm4b:s0+s2], $0x2000, $0x38;
	[tilespmem:$0xC200] =	vst v63  }
.LBB2_13:
0xd6: {  	_ =	sfence.sel $0x180000  }
0xd7: {  	[bflag:$0x0] =	sbarrier.arrive $0xFFFF  }
0xd8: {  	_ =	strace $0x90000047  }
0xd9: {  	s0 =	stileid.u32;
	[bflag:$0x2] =	sbarrier.arrive $0xFFFF  }
0xda: {  	p0 =	sne.s32 s0, $0x0;
	s0 =	rddreg [dreg:$0x2]  }
0xdb: {  	s0 =	sadd.s32 @!p0 $0x100000, s0  }
0xdc: {  	[sflag:s0] =	ssyncadd.tile.s32 @!p0 $0x1;
	_ =	shalt  }
.Lfunc_end2:
_tile_overlayer_lowered:
.L_overlay_start_2:
0xdd: {  	(tag) =	ssettag $0x2  }
0xde: {  	s0 =	rddreg [dreg:$0x0];
	s2 =	stileid.u32  }
0xdf: {  	s1 =	rddreg [dreg:$0x1];
	p0 =	sne.s32 s2, $0x0  }
0xe0: {  	s3 =	rddreg [dreg:$0x2];
	[bflag:$0x3] =	sbarrier.arrive $0xFFFF;
	s2 =	simm.s32 @!p0 $0x1C03  }
0xe1: {  	[timem:s3], [sflag:s2] =	dma.local @!p0 [hbm:s0], s1  }
0xe2: {  	s0 =	simm.s32 @!p0 $0x3  }
0xe3: {  	_ =	swait.ge @!p0 [sflag:s0], s1  }
0xe4: {  	s1 =	ssub.s32 @!p0 $0x0, s1;
	[sflag:s0] =	ssyncset.done @!p0 $0x0  }
0xe5: {  	[sflag:s0] =	ssyncadd.s32 @!p0 s1  }
0xe6: {  	[bflag:$0x3] =	sbarrier.arrive $0xFFFF  }
0xe7: {  	_ =	shalt  }

</sc_bundles>
